<compile_context>
chip_gen: v7x
topology: tpu7x:2x2x1
jax: 0.10.2.dev20260603
libtpu: 0.0.44.dev20260713+nightly
codegen_flags: <defaults>
</compile_context>

<pallas_src>
import functools

import jax
import jax.numpy as jnp
from jax import lax
from jax.experimental import pallas as pl
from jax.experimental.pallas import tpu as pltpu
from jax.experimental.pallas import tpu_sc as plsc

_B = 2
_C = 128
_D = _H = _W = 16
_N = _D * _H * _W
_M = _N
_K = 24
_TEMPERATURE = 0.07
_RADIUS = 0.45
_RBLK = 256
_NB = _N // _RBLK

_PAIRS = _B * _N * _K
_NW = 32
_PW = _PAIRS // _NW
_GCH = 128
_NGC = _PW // _GCH
_VCH = 16
_NVC = _PW // _VCH


def _tc_topk_body(src_can_ref, tgt_canT_ref, src_desc_ref, tgt_descT_ref,
                  idx_ref, d2k_ref, corr_ref):
    sc = src_can_ref[0]
    tcT = tgt_canT_ref[0]
    s2 = jnp.sum(sc * sc, axis=1, keepdims=True)
    t2 = jnp.sum(tcT * tcT, axis=0, keepdims=True)
    dotst = jax.lax.dot(sc, tcT,
                        preferred_element_type=jnp.float32)
    d2 = jnp.maximum(s2 + t2 - 2.0 * dotst, 0.0)

    corr_ref[0] = jax.lax.dot(src_desc_ref[0], tgt_descT_ref[0],
                              preferred_element_type=jnp.float32)

    iota = jax.lax.broadcasted_iota(jnp.int32, (_RBLK, _M), 1)
    work = d2
    ds, idxs = [], []
    for _ in range(_K):
        m = jnp.min(work, axis=1, keepdims=True)
        cand = jnp.where(work == m, iota, _M)
        idxk = jnp.min(cand, axis=1, keepdims=True)
        sel = iota == idxk
        work = jnp.where(sel, jnp.float32(jnp.inf), work)
        ds.append(m)
        idxs.append(idxk)

    idx_ref[0] = jnp.concatenate(idxs, axis=1)
    d2k_ref[0] = jnp.concatenate(ds, axis=1)


def _run_tc_topk(src_can, tgt_canT, src_desc, tgt_descT):
    grid = (_B, _NB)
    out_shapes = (
        jax.ShapeDtypeStruct((_B, _N, _K), jnp.int32),
        jax.ShapeDtypeStruct((_B, _N, _K), jnp.float32),
        jax.ShapeDtypeStruct((_B, _N, _M), jnp.float32),
    )
    in_specs = [
        pl.BlockSpec((1, _RBLK, 3), lambda b, i: (b, i, 0)),
        pl.BlockSpec((1, 3, _M), lambda b, i: (b, 0, 0)),
        pl.BlockSpec((1, _RBLK, _C), lambda b, i: (b, i, 0)),
        pl.BlockSpec((1, _C, _M), lambda b, i: (b, 0, 0)),
    ]
    out_specs = (
        pl.BlockSpec((1, _RBLK, _K), lambda b, i: (b, i, 0)),
        pl.BlockSpec((1, _RBLK, _K), lambda b, i: (b, i, 0)),
        pl.BlockSpec((1, _RBLK, _M), lambda b, i: (b, i, 0)),
    )
    return pl.pallas_call(
        _tc_topk_body,
        grid=grid,
        in_specs=in_specs,
        out_specs=out_specs,
        out_shape=out_shapes,
        compiler_params=pltpu.CompilerParams(
            dimension_semantics=("parallel", "parallel")),
    )(src_can, tgt_canT, src_desc, tgt_descT)


def _run_sc_gather(idx_flat, corr_base, ml_base, corr_flat, ml_flat):
    mesh = plsc.VectorSubcoreMesh(core_axis_name="c", subcore_axis_name="s")

    @functools.partial(
        pl.kernel, mesh=mesh,
        out_type=(
            jax.ShapeDtypeStruct((_PAIRS,), jnp.float32),
            jax.ShapeDtypeStruct((_PAIRS,), jnp.float32),
        ),
        scratch_types=[
            pltpu.VMEM((_PW,), jnp.int32),
            pltpu.VMEM((_PW,), jnp.int32),
            pltpu.VMEM((_PW,), jnp.int32),
            pltpu.VMEM((_PW,), jnp.int32),
            pltpu.VMEM((_PW,), jnp.int32),
            pltpu.VMEM((_PW,), jnp.int32),
            pltpu.VMEM((_PW,), jnp.float32),
            pltpu.VMEM((_PW,), jnp.float32),
            pltpu.VMEM((_PW,), jnp.float32),
            pltpu.SemaphoreType.DMA,
        ],
    )
    def k(idx_hbm, cbase_hbm, mbase_hbm, corr_hbm, ml_hbm,
          ock_hbm, otm_hbm,
          idx_v, cb_v, mb_v, ci_v, m0i_v, m1i_v, cv_v, m0v_v, m1v_v, sem):
        wid = lax.axis_index("s") * 2 + lax.axis_index("c")
        base = wid * _PW
        pltpu.sync_copy(idx_hbm.at[pl.ds(base, _PW)], idx_v)
        pltpu.sync_copy(cbase_hbm.at[pl.ds(base, _PW)], cb_v)
        pltpu.sync_copy(mbase_hbm.at[pl.ds(base, _PW)], mb_v)

        def build(j, carry):
            s = pl.ds(j * _VCH, _VCH)
            v = idx_v[s]
            ci_v[s] = v + cb_v[s]
            m0 = v + mb_v[s]
            m0i_v[s] = m0
            m1i_v[s] = m0 + _M
            return carry

        lax.fori_loop(0, _NVC, build, 0)

        def gather(c, carry):
            s = pl.ds(c * _GCH, _GCH)
            pltpu.async_copy(corr_hbm.at[ci_v.at[s]], cv_v.at[s], sem).wait()
            pltpu.async_copy(ml_hbm.at[m0i_v.at[s]], m0v_v.at[s], sem).wait()
            pltpu.async_copy(ml_hbm.at[m1i_v.at[s]], m1v_v.at[s], sem).wait()
            return carry

        lax.fori_loop(0, _NGC, gather, 0)

        def combine(j, carry):
            s = pl.ds(j * _VCH, _VCH)
            m1v_v[s] = 1.0 / (1.0 + jnp.exp(m1v_v[s] - m0v_v[s]))
            return carry

        lax.fori_loop(0, _NVC, combine, 0)

        pltpu.sync_copy(cv_v, ock_hbm.at[pl.ds(base, _PW)])
        pltpu.sync_copy(m1v_v, otm_hbm.at[pl.ds(base, _PW)])

    return k(idx_flat, corr_base, ml_base, corr_flat, ml_flat)


def _tc_combine_body(idx_ref, d2k_ref, corrk_ref, tmk_ref, src_ml_ref,
                     probs_ref, exppos_ref, conf_ref, margin_ref,
                     entropy_ref):
    idx = idx_ref[0]
    d2 = d2k_ref[0]
    logits = corrk_ref[0] / _TEMPERATURE - d2 / (_RADIUS * _RADIUS)
    tmg = tmk_ref[0]
    sml = src_ml_ref[0]
    smatch = jax.nn.sigmoid(sml[:, 0:1] - sml[:, 1:2])

    mx = jnp.max(logits, axis=1, keepdims=True)
    e = jnp.exp(logits - mx)
    s = jnp.sum(e, axis=1, keepdims=True)
    p = e / s
    probs_ref[0] = p

    zf = (idx // (_H * _W)).astype(jnp.float32)
    yf = ((idx // _W) % _H).astype(jnp.float32)
    xf = (idx % _W).astype(jnp.float32)
    ez = jnp.sum(p * zf, axis=1, keepdims=True)
    ey = jnp.sum(p * yf, axis=1, keepdims=True)
    ex = jnp.sum(p * xf, axis=1, keepdims=True)
    exppos_ref[0] = jnp.concatenate([ez, ey, ex], axis=1)

    top1 = jnp.max(p, axis=1, keepdims=True)
    kio = jax.lax.broadcasted_iota(jnp.int32, (_RBLK, _K), 1)
    bidx = jnp.min(jnp.where(p == top1, kio, _K), axis=1, keepdims=True)
    bsel = kio == bidx
    second = jnp.max(jnp.where(bsel, -jnp.inf, p), axis=1, keepdims=True)
    btm = jnp.sum(jnp.where(bsel, tmg, 0.0), axis=1, keepdims=True)
    conf_ref[0] = top1 * jnp.sqrt(jnp.clip(smatch * btm, 1e-6, None))
    margin_ref[0] = top1 - second
    entropy_ref[0] = -jnp.sum(p * jnp.log(jnp.clip(p, 1e-12, None)),
                              axis=1, keepdims=True)


def _run_tc_combine(idx, d2k, corr_k, tm_k, src_ml):
    grid = (_B, _NB)
    out_shapes = (
        jax.ShapeDtypeStruct((_B, _N, _K), jnp.float32),
        jax.ShapeDtypeStruct((_B, _N, 3), jnp.float32),
        jax.ShapeDtypeStruct((_B, _N, 1), jnp.float32),
        jax.ShapeDtypeStruct((_B, _N, 1), jnp.float32),
        jax.ShapeDtypeStruct((_B, _N, 1), jnp.float32),
    )
    in_specs = [
        pl.BlockSpec((1, _RBLK, _K), lambda b, i: (b, i, 0)),
        pl.BlockSpec((1, _RBLK, _K), lambda b, i: (b, i, 0)),
        pl.BlockSpec((1, _RBLK, _K), lambda b, i: (b, i, 0)),
        pl.BlockSpec((1, _RBLK, _K), lambda b, i: (b, i, 0)),
        pl.BlockSpec((1, _RBLK, 2), lambda b, i: (b, i, 0)),
    ]
    out_specs = (
        pl.BlockSpec((1, _RBLK, _K), lambda b, i: (b, i, 0)),
        pl.BlockSpec((1, _RBLK, 3), lambda b, i: (b, i, 0)),
        pl.BlockSpec((1, _RBLK, 1), lambda b, i: (b, i, 0)),
        pl.BlockSpec((1, _RBLK, 1), lambda b, i: (b, i, 0)),
        pl.BlockSpec((1, _RBLK, 1), lambda b, i: (b, i, 0)),
    )
    return pl.pallas_call(
        _tc_combine_body,
        grid=grid,
        in_specs=in_specs,
        out_specs=out_specs,
        out_shape=out_shapes,
        compiler_params=pltpu.CompilerParams(
            dimension_semantics=("parallel", "parallel")),
    )(idx, d2k, corr_k, tm_k, src_ml)


def kernel(src_canonical_coords, src_descriptors, src_uncertainty,
           src_matchability_logits, tgt_canonical_coords, tgt_descriptors,
           tgt_uncertainty, tgt_matchability_logits):
    b = src_canonical_coords.shape[0]
    spatial = src_canonical_coords.shape[2:]

    src_can = jnp.transpose(src_canonical_coords.reshape(b, 3, _N), (0, 2, 1))
    src_desc = jnp.transpose(src_descriptors.reshape(b, _C, _N), (0, 2, 1))
    src_ml = jnp.transpose(src_matchability_logits.reshape(b, 2, _N), (0, 2, 1))
    tgt_canT = tgt_canonical_coords.reshape(b, 3, _M)
    tgt_descT = tgt_descriptors.reshape(b, _C, _M)
    tgt_ml = tgt_matchability_logits.reshape(b, 2, _M)

    idx, d2k, corr = _run_tc_topk(src_can, tgt_canT, src_desc, tgt_descT)

    pair = jnp.arange(_PAIRS, dtype=jnp.int32)
    corr_base = (pair // _K) * _M
    ml_base = (pair // (_N * _K)) * (2 * _M)
    corr_k_flat, tm_k_flat = _run_sc_gather(
        idx.reshape(_PAIRS), corr_base, ml_base,
        corr.reshape(_B * _N * _M), tgt_ml.reshape(_B * 2 * _M))
    corr_k = corr_k_flat.reshape(_B, _N, _K)
    tm_k = tm_k_flat.reshape(_B, _N, _K)

    probs, exp_pos, conf, margin, entropy = _run_tc_combine(
        idx, d2k, corr_k, tm_k, src_ml)

    zz, yy, xx = jnp.meshgrid(jnp.arange(_D), jnp.arange(_H), jnp.arange(_W),
                              indexing='ij')
    grid_pos = jnp.stack([zz, yy, xx], axis=0).astype(jnp.float32)
    positions = jnp.transpose(
        jnp.broadcast_to(grid_pos.reshape(1, 3, _N), (b, 3, _N)), (0, 2, 1))

    raw_displacement = jnp.transpose(exp_pos - positions, (0, 2, 1))
    raw_displacement = raw_displacement.reshape(b, 3, *spatial)
    raw_displacement = jnp.nan_to_num(raw_displacement, nan=0.0,
                                      posinf=0.0, neginf=0.0)

    confidence = conf.reshape(b, 1, *spatial)
    margin = jnp.nan_to_num(margin, nan=0.0, posinf=0.0, neginf=0.0)
    margin = margin.reshape(b, 1, *spatial)
    entropy = jnp.nan_to_num(entropy, nan=0.0, posinf=0.0, neginf=0.0)
    entropy = entropy.reshape(b, 1, *spatial)
    probs = jnp.nan_to_num(probs, nan=0.0, posinf=0.0, neginf=0.0)

    return (exp_pos, raw_displacement, probs, confidence, margin, entropy,
            positions)

# --- scband reference (transcript-rebuilt; emitter-appended) ---
"""Pipeline reference for scband-canonical-correlation-matcher-45715631899333 (READ-ONLY COPY).

The authoritative reference and input builder live on the scoring server;
editing this copy changes nothing except your own understanding.
"""

import jax, jax.numpy as jnp
import numpy as np

B = 2
C_DESC = 128
D, H, W = 16, 16, 16
TEMPERATURE = 0.07
TOPK = 24
CANONICAL_RADIUS = 0.45


def _flatten_spatial(x):
    # [B, C, D, H, W] -> [B, D*H*W, C]
    b, c = x.shape[0], x.shape[1]
    return jnp.transpose(x.reshape(b, c, -1), (0, 2, 1))


def _voxel_grid(spatial_shape):
    d, h, w = spatial_shape
    zz, yy, xx = jnp.meshgrid(jnp.arange(d), jnp.arange(h), jnp.arange(w), indexing='ij')
    return jnp.stack([zz, yy, xx], axis=0).astype(jnp.float32)  # [3, D, H, W]


def setup_inputs(seed: int = 0) -> dict:
    key = jax.random.key(seed)
    ks = jax.random.split(key, 8)
    return {
        'src_canonical_coords': jax.random.normal(ks[0], (B, 3, D, H, W), dtype=jnp.float32),
        'src_descriptors': jax.random.normal(ks[1], (B, C_DESC, D, H, W), dtype=jnp.float32),
        'src_uncertainty': jax.random.uniform(ks[2], (B, 1, D, H, W), dtype=jnp.float32),
        'src_matchability_logits': jax.random.normal(ks[3], (B, 2, D, H, W), dtype=jnp.float32),
        'tgt_canonical_coords': jax.random.normal(ks[4], (B, 3, D, H, W), dtype=jnp.float32),
        'tgt_descriptors': jax.random.normal(ks[5], (B, C_DESC, D, H, W), dtype=jnp.float32),
        'tgt_uncertainty': jax.random.uniform(ks[6], (B, 1, D, H, W), dtype=jnp.float32),
        'tgt_matchability_logits': jax.random.normal(ks[7], (B, 2, D, H, W), dtype=jnp.float32),
    }


def reference(src_canonical_coords, src_descriptors, src_uncertainty, src_matchability_logits,
              tgt_canonical_coords, tgt_descriptors, tgt_uncertainty, tgt_matchability_logits):
    b = src_canonical_coords.shape[0]
    spatial = src_canonical_coords.shape[2:]

    src_can = _flatten_spatial(src_canonical_coords)   # [B, N, 3]
    tgt_can = _flatten_spatial(tgt_canonical_coords)   # [B, M, 3]
    src_desc = _flatten_spatial(src_descriptors)       # [B, N, C]
    tgt_desc = _flatten_spatial(tgt_descriptors)       # [B, M, C]
    src_match = jax.nn.softmax(_flatten_spatial(src_matchability_logits), axis=-1)[..., 0]  # [B, N]
    tgt_match = jax.nn.softmax(_flatten_spatial(tgt_matchability_logits), axis=-1)[..., 0]  # [B, M]

    grid = _voxel_grid(spatial)                        # [3, D, H, W]
    positions = _flatten_spatial(jnp.broadcast_to(grid[None], (b,) + grid.shape))  # [B, N, 3]

    # cdist via (|a|^2 + |b|^2 - 2 a.b) matmul formulation
    s2 = jnp.sum(src_can * src_can, axis=-1, keepdims=True)           # [B, N, 1]
    t2 = jnp.sum(tgt_can * tgt_can, axis=-1)[:, None, :]              # [B, 1, M]
    d2 = s2 + t2 - 2.0 * jnp.einsum('bnd,bmd->bnm', src_can, tgt_can)
    canonical_distance = jnp.sqrt(jnp.clip(d2, 0.0, None))            # [B, N, M]

    num_voxels = canonical_distance.shape[-1]
    k = min(TOPK, num_voxels)
    neg_vals, idx = jax.lax.top_k(-canonical_distance, k)             # idx: [B, N, K]
    gathered_dist = -neg_vals                                         # [B, N, K]

    batched_gather = jax.vmap(lambda t, i: t[i])
    g_desc = batched_gather(tgt_desc, idx)       # [B, N, K, C]
    g_pos = batched_gather(positions, idx)       # [B, N, K, 3]
    g_tm = batched_gather(tgt_match, idx)        # [B, N, K]

    logits = jnp.einsum('bnc,bnkc->bnk', src_desc, g_desc) / TEMPERATURE
    logits = logits - (gathered_dist / CANONICAL_RADIUS) ** 2
    probabilities = jax.nn.softmax(logits, axis=-1)                   # [B, N, K]

    expected_target_positions = jnp.einsum('bnk,bnkd->bnd', probabilities, g_pos)  # [B, N, 3]
    raw_displacement = jnp.transpose(expected_target_positions - positions, (0, 2, 1))
    raw_displacement = raw_displacement.reshape(b, 3, *spatial)
    raw_displacement = jnp.nan_to_num(raw_displacement, nan=0.0, posinf=0.0, neginf=0.0)

    top2 = jax.lax.top_k(probabilities, min(2, probabilities.shape[-1]))[0]
    top1 = top2[..., 0]
    margin = top1 - top2[..., 1] if top2.shape[-1] > 1 else top1
    confidence = top1  # confidence_mode == 'max_prob'
    best_index = jnp.argmax(probabilities, axis=-1, keepdims=True)
    best_tm = jnp.take_along_axis(g_tm, best_index, axis=-1)[..., 0]
    confidence = confidence * jnp.sqrt(jnp.clip(src_match * best_tm, 1e-06, None))
    entropy = -jnp.sum(probabilities * jnp.log(jnp.clip(probabilities, 1e-12, None)), axis=-1)
    margin = jnp.nan_to_num(margin, nan=0.0, posinf=0.0, neginf=0.0)
    entropy = jnp.nan_to_num(entropy, nan=0.0, posinf=0.0, neginf=0.0)

    confidence = confidence.reshape(b, 1, *spatial)
    margin = margin.reshape(b, 1, *spatial)
    entropy = entropy.reshape(b, 1, *spatial)
    probabilities = jnp.nan_to_num(probabilities, nan=0.0, posinf=0.0, neginf=0.0)

    return (expected_target_positions, raw_displacement, probabilities, confidence, margin, entropy, positions)

if __name__ == "__main__":
    import jax
    _d = setup_inputs()
    print(jax.jit(kernel)(*tuple(_d.values())))

</pallas_src>

<mosaic_0001>
#map = affine_map<(d0, d1) -> (0)>
module attributes {stable_mosaic.version = 14 : i64} {
  func.func @k(%arg0: i32, %arg1: i32, %arg2: memref<196608xi32, #tpu.memory_space<hbm>>, %arg3: memref<196608xi32, #tpu.memory_space<hbm>>, %arg4: memref<196608xi32, #tpu.memory_space<hbm>>, %arg5: memref<33554432xf32, #tpu.memory_space<hbm>>, %arg6: memref<16384xf32, #tpu.memory_space<hbm>>, %arg7: memref<196608xf32, #tpu.memory_space<hbm>>, %arg8: memref<196608xf32, #tpu.memory_space<hbm>>, %arg9: memref<6144xi32, #tpu.memory_space<vmem>>, %arg10: memref<6144xi32, #tpu.memory_space<vmem>>, %arg11: memref<6144xi32, #tpu.memory_space<vmem>>, %arg12: memref<6144xi32, #tpu.memory_space<vmem>>, %arg13: memref<6144xi32, #tpu.memory_space<vmem>>, %arg14: memref<6144xi32, #tpu.memory_space<vmem>>, %arg15: memref<6144xf32, #tpu.memory_space<vmem>>, %arg16: memref<6144xf32, #tpu.memory_space<vmem>>, %arg17: memref<6144xf32, #tpu.memory_space<vmem>>, %arg18: memref<!tpu.dma_semaphore, #tpu.memory_space<semaphore_mem>>) attributes {dimension_semantics = [#tpu.dimension_semantics<core_parallel>, #tpu.dimension_semantics<subcore_parallel>], iteration_bounds = array<i64: 2, 16>, scalar_prefetch = 0 : i64, scratch_operands = 10 : i64, tpu.core_type = #tpu.core_type<sc_vector_subcore>, window_params = [{transform_indices = #map}, {transform_indices = #map}, {transform_indices = #map}, {transform_indices = #map}, {transform_indices = #map}, {transform_indices = #map}, {transform_indices = #map}]} {
    %mul3A = arith.constant 2 : i32
    %mul3A_0 = arith.muli %arg1, %mul3A : i32
    %add3A = arith.addi %mul3A_0, %arg0 : i32
    %mul3A_1 = arith.constant 6144 : i32
    %mul3A_2 = arith.muli %add3A, %mul3A_1 : i32
    "tpu.region"() ({
      %run_scoped3A = tpu.sem_alloc : memref<!tpu.dma_semaphore, #tpu.memory_space<semaphore_mem>>
      %dma_start3A = tpu.memref_slice %arg2[%mul3A_2] : memref<196608xi32, #tpu.memory_space<hbm>> -> memref<6144xi32, #tpu.memory_space<hbm>>
      %dma_start3A_20 = tpu.memref_slice %arg2[%mul3A_2] : memref<196608xi32, #tpu.memory_space<hbm>> -> memref<6144xi32, #tpu.memory_space<hbm>>
      tpu.enqueue_dma source(%dma_start3A_20 : memref<6144xi32, #tpu.memory_space<hbm>>) target(%arg9 : memref<6144xi32, #tpu.memory_space<vmem>>) target_semaphore(%run_scoped3A : memref<!tpu.dma_semaphore, #tpu.memory_space<semaphore_mem>>)
      %dma_wait3A = tpu.memref_slice %arg2[%mul3A_2] : memref<196608xi32, #tpu.memory_space<hbm>> -> memref<6144xi32, #tpu.memory_space<hbm>>
      %dma_wait3A_21 = tpu.memref_slice %arg2[%mul3A_2] : memref<196608xi32, #tpu.memory_space<hbm>> -> memref<6144xi32, #tpu.memory_space<hbm>>
      tpu.wait_dma2 semaphore(%run_scoped3A : memref<!tpu.dma_semaphore, #tpu.memory_space<semaphore_mem>>) src(%dma_wait3A_21 : memref<6144xi32, #tpu.memory_space<hbm>>) dst(%arg9 : memref<6144xi32, #tpu.memory_space<vmem>>)
      tpu.yield
    }) : () -> ()
    "tpu.region"() ({
      %run_scoped3A = tpu.sem_alloc : memref<!tpu.dma_semaphore, #tpu.memory_space<semaphore_mem>>
      %dma_start3A = tpu.memref_slice %arg3[%mul3A_2] : memref<196608xi32, #tpu.memory_space<hbm>> -> memref<6144xi32, #tpu.memory_space<hbm>>
      %dma_start3A_20 = tpu.memref_slice %arg3[%mul3A_2] : memref<196608xi32, #tpu.memory_space<hbm>> -> memref<6144xi32, #tpu.memory_space<hbm>>
      tpu.enqueue_dma source(%dma_start3A_20 : memref<6144xi32, #tpu.memory_space<hbm>>) target(%arg10 : memref<6144xi32, #tpu.memory_space<vmem>>) target_semaphore(%run_scoped3A : memref<!tpu.dma_semaphore, #tpu.memory_space<semaphore_mem>>)
      %dma_wait3A = tpu.memref_slice %arg3[%mul3A_2] : memref<196608xi32, #tpu.memory_space<hbm>> -> memref<6144xi32, #tpu.memory_space<hbm>>
      %dma_wait3A_21 = tpu.memref_slice %arg3[%mul3A_2] : memref<196608xi32, #tpu.memory_space<hbm>> -> memref<6144xi32, #tpu.memory_space<hbm>>
      tpu.wait_dma2 semaphore(%run_scoped3A : memref<!tpu.dma_semaphore, #tpu.memory_space<semaphore_mem>>) src(%dma_wait3A_21 : memref<6144xi32, #tpu.memory_space<hbm>>) dst(%arg10 : memref<6144xi32, #tpu.memory_space<vmem>>)
      tpu.yield
    }) : () -> ()
    "tpu.region"() ({
      %run_scoped3A = tpu.sem_alloc : memref<!tpu.dma_semaphore, #tpu.memory_space<semaphore_mem>>
      %dma_start3A = tpu.memref_slice %arg4[%mul3A_2] : memref<196608xi32, #tpu.memory_space<hbm>> -> memref<6144xi32, #tpu.memory_space<hbm>>
      %dma_start3A_20 = tpu.memref_slice %arg4[%mul3A_2] : memref<196608xi32, #tpu.memory_space<hbm>> -> memref<6144xi32, #tpu.memory_space<hbm>>
      tpu.enqueue_dma source(%dma_start3A_20 : memref<6144xi32, #tpu.memory_space<hbm>>) target(%arg11 : memref<6144xi32, #tpu.memory_space<vmem>>) target_semaphore(%run_scoped3A : memref<!tpu.dma_semaphore, #tpu.memory_space<semaphore_mem>>)
      %dma_wait3A = tpu.memref_slice %arg4[%mul3A_2] : memref<196608xi32, #tpu.memory_space<hbm>> -> memref<6144xi32, #tpu.memory_space<hbm>>
      %dma_wait3A_21 = tpu.memref_slice %arg4[%mul3A_2] : memref<196608xi32, #tpu.memory_space<hbm>> -> memref<6144xi32, #tpu.memory_space<hbm>>
      tpu.wait_dma2 semaphore(%run_scoped3A : memref<!tpu.dma_semaphore, #tpu.memory_space<semaphore_mem>>) src(%dma_wait3A_21 : memref<6144xi32, #tpu.memory_space<hbm>>) dst(%arg11 : memref<6144xi32, #tpu.memory_space<vmem>>)
      tpu.yield
    }) : () -> ()
    %scan3A = arith.constant 0 : i32
    %scan3A_3 = arith.constant 0 : i32
    %scan3A_4 = arith.constant 384 : i32
    %scan3A_5 = arith.addi %scan3A_3, %scan3A_4 : i32
    %scan3A_6 = arith.constant 1 : i32
    scf.for %scan3A_20 = %scan3A_3 to %scan3A_5 step %scan3A_6  : i32 {
      %mul3A_21 = arith.constant 16 : i32
      %mul3A_22 = arith.muli %scan3A_20, %mul3A_21 : i32
      %get3A = arith.index_cast %mul3A_22 : i32 to index
      %get3A_23 = tpu.vector_load %arg9[%get3A] {strides = array<i32>} : memref<6144xi32, #tpu.memory_space<vmem>>, vector<16xi32>,
      %get3A_24 = vector.shape_cast %get3A_23 : vector<16xi32> to vector<16xi32>
      %get3A_25 = arith.index_cast %mul3A_22 : i32 to index
      %get3A_26 = tpu.vector_load %arg10[%get3A_25] {strides = array<i32>} : memref<6144xi32, #tpu.memory_space<vmem>>, vector<16xi32>,
      %get3A_27 = vector.shape_cast %get3A_26 : vector<16xi32> to vector<16xi32>
      %add3A_28 = arith.addi %get3A_24, %get3A_27 : vector<16xi32>
      %swap3A = arith.index_cast %mul3A_22 : i32 to index
      %swap3A_29 = tpu.vector_load %arg12[%swap3A] {strides = array<i32>} : memref<6144xi32, #tpu.memory_space<vmem>>, vector<16xi32>,
      %swap3A_30 = vector.shape_cast %swap3A_29 : vector<16xi32> to vector<16xi32>
      %swap3A_31 = vector.shape_cast %add3A_28 : vector<16xi32> to vector<16xi32>
      tpu.vector_store %arg12[%swap3A], %swap3A_31 {strides = array<i32>} : memref<6144xi32, #tpu.memory_space<vmem>>, vector<16xi32>,
      %get3A_32 = arith.index_cast %mul3A_22 : i32 to index
      %get3A_33 = tpu.vector_load %arg11[%get3A_32] {strides = array<i32>} : memref<6144xi32, #tpu.memory_space<vmem>>, vector<16xi32>,
      %get3A_34 = vector.shape_cast %get3A_33 : vector<16xi32> to vector<16xi32>
      %add3A_35 = arith.addi %get3A_24, %get3A_34 : vector<16xi32>
      %swap3A_36 = arith.index_cast %mul3A_22 : i32 to index
      %swap3A_37 = tpu.vector_load %arg13[%swap3A_36] {strides = array<i32>} : memref<6144xi32, #tpu.memory_space<vmem>>, vector<16xi32>,
      %swap3A_38 = vector.shape_cast %swap3A_37 : vector<16xi32> to vector<16xi32>
      %swap3A_39 = vector.shape_cast %add3A_35 : vector<16xi32> to vector<16xi32>
      tpu.vector_store %arg13[%swap3A_36], %swap3A_39 {strides = array<i32>} : memref<6144xi32, #tpu.memory_space<vmem>>, vector<16xi32>,
      %add3A_40 = arith.constant 4096 : i32
      %add3A_41 = vector.broadcast %add3A_40 : i32 to vector<16xi32>
      %add3A_42 = arith.addi %add3A_35, %add3A_41 : vector<16xi32>
      %swap3A_43 = arith.index_cast %mul3A_22 : i32 to index
      %swap3A_44 = tpu.vector_load %arg14[%swap3A_43] {strides = array<i32>} : memref<6144xi32, #tpu.memory_space<vmem>>, vector<16xi32>,
      %swap3A_45 = vector.shape_cast %swap3A_44 : vector<16xi32> to vector<16xi32>
      %swap3A_46 = vector.shape_cast %add3A_42 : vector<16xi32> to vector<16xi32>
      tpu.vector_store %arg14[%swap3A_43], %swap3A_46 {strides = array<i32>} : memref<6144xi32, #tpu.memory_space<vmem>>, vector<16xi32>,
    }
    %scan3A_7 = arith.constant 384 : i32
    %scan3A_8 = arith.constant 0 : i32
    %scan3A_9 = arith.constant 0 : i32
    %scan3A_10 = arith.constant 48 : i32
    %scan3A_11 = arith.addi %scan3A_9, %scan3A_10 : i32
    %scan3A_12 = arith.constant 1 : i32
    scf.for %scan3A_20 = %scan3A_9 to %scan3A_11 step %scan3A_12  : i32 {
      %mul3A_21 = arith.constant 128 : i32
      %mul3A_22 = arith.muli %scan3A_20, %mul3A_21 : i32
      %dma_start3A = tpu.memref_slice %arg15[%mul3A_22] : memref<6144xf32, #tpu.memory_space<vmem>> -> memref<128xf32, #tpu.memory_space<vmem>>
      %dma_start3A_23 = tpu.memref_slice %arg12[%mul3A_22] : memref<6144xi32, #tpu.memory_space<vmem>> -> memref<128xi32, #tpu.memory_space<vmem>>
      %dma_start3A_24 = arith.constant 0 : i32
      %dma_start3A_25 = tpu.memref_slice %arg5[%dma_start3A_24] : memref<33554432xf32, #tpu.memory_space<hbm>> -> memref<33554432xf32, #tpu.memory_space<hbm>>
      tpu.enqueue_indirect_dma source(%dma_start3A_25 : memref<33554432xf32, #tpu.memory_space<hbm>>) target(%dma_start3A : memref<128xf32, #tpu.memory_space<vmem>>) offsets(%dma_start3A_23 : memref<128xi32, #tpu.memory_space<vmem>>) semaphore(%arg18 : memref<!tpu.dma_semaphore, #tpu.memory_space<semaphore_mem>>)
      %dma_wait3A = tpu.memref_slice %arg15[%mul3A_22] : memref<6144xf32, #tpu.memory_space<vmem>> -> memref<128xf32, #tpu.memory_space<vmem>>
      %dma_wait3A_26 = tpu.memref_slice %arg12[%mul3A_22] : memref<6144xi32, #tpu.memory_space<vmem>> -> memref<128xi32, #tpu.memory_space<vmem>>
      %dma_wait3A_27 = arith.constant 0 : i32
      %dma_wait3A_28 = tpu.memref_slice %arg5[%dma_wait3A_27] : memref<33554432xf32, #tpu.memory_space<hbm>> -> memref<33554432xf32, #tpu.memory_space<hbm>>
      tpu.wait_indirect_dma semaphore(%arg18 : memref<!tpu.dma_semaphore, #tpu.memory_space<semaphore_mem>>) src(%dma_wait3A_28 : memref<33554432xf32, #tpu.memory_space<hbm>>) dst(%dma_wait3A : memref<128xf32, #tpu.memory_space<vmem>>)
      %dma_start3A_29 = tpu.memref_slice %arg16[%mul3A_22] : memref<6144xf32, #tpu.memory_space<vmem>> -> memref<128xf32, #tpu.memory_space<vmem>>
      %dma_start3A_30 = tpu.memref_slice %arg13[%mul3A_22] : memref<6144xi32, #tpu.memory_space<vmem>> -> memref<128xi32, #tpu.memory_space<vmem>>
      %dma_start3A_31 = arith.constant 0 : i32
      %dma_start3A_32 = tpu.memref_slice %arg6[%dma_start3A_31] : memref<16384xf32, #tpu.memory_space<hbm>> -> memref<16384xf32, #tpu.memory_space<hbm>>
      tpu.enqueue_indirect_dma source(%dma_start3A_32 : memref<16384xf32, #tpu.memory_space<hbm>>) target(%dma_start3A_29 : memref<128xf32, #tpu.memory_space<vmem>>) offsets(%dma_start3A_30 : memref<128xi32, #tpu.memory_space<vmem>>) semaphore(%arg18 : memref<!tpu.dma_semaphore, #tpu.memory_space<semaphore_mem>>)
      %dma_wait3A_33 = tpu.memref_slice %arg16[%mul3A_22] : memref<6144xf32, #tpu.memory_space<vmem>> -> memref<128xf32, #tpu.memory_space<vmem>>
      %dma_wait3A_34 = tpu.memref_slice %arg13[%mul3A_22] : memref<6144xi32, #tpu.memory_space<vmem>> -> memref<128xi32, #tpu.memory_space<vmem>>
      %dma_wait3A_35 = arith.constant 0 : i32
      %dma_wait3A_36 = tpu.memref_slice %arg6[%dma_wait3A_35] : memref<16384xf32, #tpu.memory_space<hbm>> -> memref<16384xf32, #tpu.memory_space<hbm>>
      tpu.wait_indirect_dma semaphore(%arg18 : memref<!tpu.dma_semaphore, #tpu.memory_space<semaphore_mem>>) src(%dma_wait3A_36 : memref<16384xf32, #tpu.memory_space<hbm>>) dst(%dma_wait3A_33 : memref<128xf32, #tpu.memory_space<vmem>>)
      %dma_start3A_37 = tpu.memref_slice %arg17[%mul3A_22] : memref<6144xf32, #tpu.memory_space<vmem>> -> memref<128xf32, #tpu.memory_space<vmem>>
      %dma_start3A_38 = tpu.memref_slice %arg14[%mul3A_22] : memref<6144xi32, #tpu.memory_space<vmem>> -> memref<128xi32, #tpu.memory_space<vmem>>
      %dma_start3A_39 = arith.constant 0 : i32
      %dma_start3A_40 = tpu.memref_slice %arg6[%dma_start3A_39] : memref<16384xf32, #tpu.memory_space<hbm>> -> memref<16384xf32, #tpu.memory_space<hbm>>
      tpu.enqueue_indirect_dma source(%dma_start3A_40 : memref<16384xf32, #tpu.memory_space<hbm>>) target(%dma_start3A_37 : memref<128xf32, #tpu.memory_space<vmem>>) offsets(%dma_start3A_38 : memref<128xi32, #tpu.memory_space<vmem>>) semaphore(%arg18 : memref<!tpu.dma_semaphore, #tpu.memory_space<semaphore_mem>>)
      %dma_wait3A_41 = tpu.memref_slice %arg17[%mul3A_22] : memref<6144xf32, #tpu.memory_space<vmem>> -> memref<128xf32, #tpu.memory_space<vmem>>
      %dma_wait3A_42 = tpu.memref_slice %arg14[%mul3A_22] : memref<6144xi32, #tpu.memory_space<vmem>> -> memref<128xi32, #tpu.memory_space<vmem>>
      %dma_wait3A_43 = arith.constant 0 : i32
      %dma_wait3A_44 = tpu.memref_slice %arg6[%dma_wait3A_43] : memref<16384xf32, #tpu.memory_space<hbm>> -> memref<16384xf32, #tpu.memory_space<hbm>>
      tpu.wait_indirect_dma semaphore(%arg18 : memref<!tpu.dma_semaphore, #tpu.memory_space<semaphore_mem>>) src(%dma_wait3A_44 : memref<16384xf32, #tpu.memory_space<hbm>>) dst(%dma_wait3A_41 : memref<128xf32, #tpu.memory_space<vmem>>)
    }
    %scan3A_13 = arith.constant 48 : i32
    %scan3A_14 = arith.constant 0 : i32
    %scan3A_15 = arith.constant 0 : i32
    %scan3A_16 = arith.constant 384 : i32
    %scan3A_17 = arith.addi %scan3A_15, %scan3A_16 : i32
    %scan3A_18 = arith.constant 1 : i32
    scf.for %scan3A_20 = %scan3A_15 to %scan3A_17 step %scan3A_18  : i32 {
      %mul3A_21 = arith.constant 16 : i32
      %mul3A_22 = arith.muli %scan3A_20, %mul3A_21 : i32
      %get3A = arith.index_cast %mul3A_22 : i32 to index
      %get3A_23 = tpu.vector_load %arg17[%get3A] {strides = array<i32>} : memref<6144xf32, #tpu.memory_space<vmem>>, vector<16xf32>,
      %get3A_24 = vector.shape_cast %get3A_23 : vector<16xf32> to vector<16xf32>
      %get3A_25 = arith.index_cast %mul3A_22 : i32 to index
      %get3A_26 = tpu.vector_load %arg16[%get3A_25] {strides = array<i32>} : memref<6144xf32, #tpu.memory_space<vmem>>, vector<16xf32>,
      %get3A_27 = vector.shape_cast %get3A_26 : vector<16xf32> to vector<16xf32>
      %sub3A = arith.subf %get3A_24, %get3A_27 : vector<16xf32>
      %exp3A = math.exp %sub3A : vector<16xf32>
      %add3A_28 = arith.constant 1.000000e+00 : f32
      %add3A_29 = vector.broadcast %add3A_28 : f32 to vector<16xf32>
      %add3A_30 = arith.addf %add3A_29, %exp3A : vector<16xf32>
      %div3A = arith.constant 1.000000e+00 : f32
      %div3A_31 = vector.broadcast %div3A : f32 to vector<16xf32>
      %div3A_32 = arith.divf %div3A_31, %add3A_30 : vector<16xf32>
      %swap3A = arith.index_cast %mul3A_22 : i32 to index
      %swap3A_33 = tpu.vector_load %arg17[%swap3A] {strides = array<i32>} : memref<6144xf32, #tpu.memory_space<vmem>>, vector<16xf32>,
      %swap3A_34 = vector.shape_cast %swap3A_33 : vector<16xf32> to vector<16xf32>
      %swap3A_35 = vector.shape_cast %div3A_32 : vector<16xf32> to vector<16xf32>
      tpu.vector_store %arg17[%swap3A], %swap3A_35 {strides = array<i32>} : memref<6144xf32, #tpu.memory_space<vmem>>, vector<16xf32>,
    }
    %scan3A_19 = arith.constant 384 : i32
    "tpu.region"() ({
      %run_scoped3A = tpu.sem_alloc : memref<!tpu.dma_semaphore, #tpu.memory_space<semaphore_mem>>
      %dma_start3A = tpu.memref_slice %arg7[%mul3A_2] : memref<196608xf32, #tpu.memory_space<hbm>> -> memref<6144xf32, #tpu.memory_space<hbm>>
      %dma_start3A_20 = tpu.memref_slice %arg7[%mul3A_2] : memref<196608xf32, #tpu.memory_space<hbm>> -> memref<6144xf32, #tpu.memory_space<hbm>>
      tpu.enqueue_dma source(%arg15 : memref<6144xf32, #tpu.memory_space<vmem>>) target(%dma_start3A_20 : memref<6144xf32, #tpu.memory_space<hbm>>) target_semaphore(%run_scoped3A : memref<!tpu.dma_semaphore, #tpu.memory_space<semaphore_mem>>)
      %dma_wait3A = tpu.memref_slice %arg7[%mul3A_2] : memref<196608xf32, #tpu.memory_space<hbm>> -> memref<6144xf32, #tpu.memory_space<hbm>>
      %dma_wait3A_21 = tpu.memref_slice %arg7[%mul3A_2] : memref<196608xf32, #tpu.memory_space<hbm>> -> memref<6144xf32, #tpu.memory_space<hbm>>
      tpu.wait_dma2 semaphore(%run_scoped3A : memref<!tpu.dma_semaphore, #tpu.memory_space<semaphore_mem>>) src(%arg15 : memref<6144xf32, #tpu.memory_space<vmem>>) dst(%dma_wait3A_21 : memref<6144xf32, #tpu.memory_space<hbm>>)
      tpu.yield
    }) : () -> ()
    "tpu.region"() ({
      %run_scoped3A = tpu.sem_alloc : memref<!tpu.dma_semaphore, #tpu.memory_space<semaphore_mem>>
      %dma_start3A = tpu.memref_slice %arg8[%mul3A_2] : memref<196608xf32, #tpu.memory_space<hbm>> -> memref<6144xf32, #tpu.memory_space<hbm>>
      %dma_start3A_20 = tpu.memref_slice %arg8[%mul3A_2] : memref<196608xf32, #tpu.memory_space<hbm>> -> memref<6144xf32, #tpu.memory_space<hbm>>
      tpu.enqueue_dma source(%arg17 : memref<6144xf32, #tpu.memory_space<vmem>>) target(%dma_start3A_20 : memref<6144xf32, #tpu.memory_space<hbm>>) target_semaphore(%run_scoped3A : memref<!tpu.dma_semaphore, #tpu.memory_space<semaphore_mem>>)
      %dma_wait3A = tpu.memref_slice %arg8[%mul3A_2] : memref<196608xf32, #tpu.memory_space<hbm>> -> memref<6144xf32, #tpu.memory_space<hbm>>
      %dma_wait3A_21 = tpu.memref_slice %arg8[%mul3A_2] : memref<196608xf32, #tpu.memory_space<hbm>> -> memref<6144xf32, #tpu.memory_space<hbm>>
      tpu.wait_dma2 semaphore(%run_scoped3A : memref<!tpu.dma_semaphore, #tpu.memory_space<semaphore_mem>>) src(%arg17 : memref<6144xf32, #tpu.memory_space<vmem>>) dst(%dma_wait3A_21 : memref<6144xf32, #tpu.memory_space<hbm>>)
      tpu.yield
    }) : () -> ()
    return
  }
}

module attributes {stable_mosaic.version = 14 : i64} {
  func.func @_tc_topk_body(%arg0: i32, %arg1: i32, %arg2: memref<1x256x3xf32, #tpu.memory_space<vmem>>, %arg3: memref<1x3x4096xf32, #tpu.memory_space<vmem>>, %arg4: memref<1x256x128xf32, #tpu.memory_space<vmem>>, %arg5: memref<1x128x4096xf32, #tpu.memory_space<vmem>>, %arg6: memref<1x256x24xi32, #tpu.memory_space<vmem>>, %arg7: memref<1x256x24xf32, #tpu.memory_space<vmem>>, %arg8: memref<1x256x4096xf32, #tpu.memory_space<vmem>>) attributes {dimension_semantics = [#tpu.dimension_semantics<parallel>, #tpu.dimension_semantics<parallel>], iteration_bounds = array<i64: 2, 16>, scalar_prefetch = 0 : i64, scratch_operands = 0 : i64, tpu.core_type = #tpu.core_type<tc>, window_params = [{transform_indices = @transform_0, window_bounds = array<i64: 1, 256, 3>}, {transform_indices = @transform_1, window_bounds = array<i64: 1, 3, 4096>}, {transform_indices = @transform_2, window_bounds = array<i64: 1, 256, 128>}, {transform_indices = @transform_3, window_bounds = array<i64: 1, 128, 4096>}, {transform_indices = @transform_4, window_bounds = array<i64: 1, 256, 24>}, {transform_indices = @transform_5, window_bounds = array<i64: 1, 256, 24>}, {transform_indices = @transform_6, window_bounds = array<i64: 1, 256, 4096>}]} {
    %get3A = arith.constant 0 : index
    %get3A_0 = arith.constant 0 : index
    %get3A_1 = arith.constant 0 : index
    %get3A_2 = vector.load %arg2[%get3A, %get3A_0, %get3A_1] : memref<1x256x3xf32, #tpu.memory_space<vmem>>, vector<1x256x3xf32>
    %get3A_3 = vector.shape_cast %get3A_2 : vector<1x256x3xf32> to vector<256x3xf32>
    %get3A_4 = arith.constant 0 : index
    %get3A_5 = arith.constant 0 : index
    %get3A_6 = arith.constant 0 : index
    %get3A_7 = vector.load %arg3[%get3A_4, %get3A_5, %get3A_6] : memref<1x3x4096xf32, #tpu.memory_space<vmem>>, vector<1x3x4096xf32>
    %get3A_8 = vector.shape_cast %get3A_7 : vector<1x3x4096xf32> to vector<3x4096xf32>
    %mul3A = arith.mulf %get3A_3, %get3A_3 : vector<256x3xf32>
    %reduce_sum3A = arith.constant dense<0.000000e+00> : vector<256xf32>
    %reduce_sum3A_9 = vector.multi_reduction <add>, %mul3A, %reduce_sum3A [1] : vector<256x3xf32> to vector<256xf32>
    %broadcast_in_dim3A = vector.shape_cast %reduce_sum3A_9 : vector<256xf32> to vector<256x1xf32>
    %mul3A_10 = arith.mulf %get3A_8, %get3A_8 : vector<3x4096xf32>
    %reduce_sum3A_11 = arith.constant dense<0.000000e+00> : vector<4096xf32>
    %reduce_sum3A_12 = vector.multi_reduction <add>, %mul3A_10, %reduce_sum3A_11 [0] : vector<3x4096xf32> to vector<4096xf32>
    %broadcast_in_dim3A_13 = vector.shape_cast %reduce_sum3A_12 : vector<4096xf32> to vector<1x4096xf32>
    %dot_general3A = arith.constant dense<0.000000e+00> : vector<256x4096xf32>
    %dot_general3A_14 = tpu.matmul %get3A_3, %get3A_8, %dot_general3A {dimension_numbers = #tpu.dot_dimension_numbers<[1], [0], [0], [1], [0, 0, 1, 1], [], []>, transpose_lhs_hint = false} : vector<256x3xf32>, vector<3x4096xf32>, vector<256x4096xf32> -> vector<256x4096xf32>
    %add3A = vector.broadcast %broadcast_in_dim3A : vector<256x1xf32> to vector<256x4096xf32>
    %add3A_15 = vector.broadcast %broadcast_in_dim3A_13 : vector<1x4096xf32> to vector<256x4096xf32>
    %add3A_16 = arith.addf %add3A, %add3A_15 : vector<256x4096xf32>
    %mul3A_17 = arith.constant 2.000000e+00 : f32
    %mul3A_18 = vector.broadcast %mul3A_17 : f32 to vector<256x4096xf32>
    %mul3A_19 = arith.mulf %mul3A_18, %dot_general3A_14 : vector<256x4096xf32>
    %sub3A = arith.subf %add3A_16, %mul3A_19 : vector<256x4096xf32>
    %max3A = arith.constant 0.000000e+00 : f32
    %max3A_20 = vector.broadcast %max3A : f32 to vector<256x4096xf32>
    %max3A_21 = arith.maximumf %sub3A, %max3A_20 : vector<256x4096xf32>
    %get3A_22 = arith.constant 0 : index
    %get3A_23 = arith.constant 0 : index
    %get3A_24 = arith.constant 0 : index
    %get3A_25 = vector.load %arg4[%get3A_22, %get3A_23, %get3A_24] : memref<1x256x128xf32, #tpu.memory_space<vmem>>, vector<1x256x128xf32>
    %get3A_26 = vector.shape_cast %get3A_25 : vector<1x256x128xf32> to vector<256x128xf32>
    %get3A_27 = arith.constant 0 : index
    %get3A_28 = arith.constant 0 : index
    %get3A_29 = arith.constant 0 : index
    %get3A_30 = vector.load %arg5[%get3A_27, %get3A_28, %get3A_29] : memref<1x128x4096xf32, #tpu.memory_space<vmem>>, vector<1x128x4096xf32>
    %get3A_31 = vector.shape_cast %get3A_30 : vector<1x128x4096xf32> to vector<128x4096xf32>
    %dot_general3A_32 = arith.constant dense<0.000000e+00> : vector<256x4096xf32>
    %dot_general3A_33 = tpu.matmul %get3A_26, %get3A_31, %dot_general3A_32 {dimension_numbers = #tpu.dot_dimension_numbers<[1], [0], [0], [1], [0, 0, 1, 1], [], []>, transpose_lhs_hint = false} : vector<256x128xf32>, vector<128x4096xf32>, vector<256x4096xf32> -> vector<256x4096xf32>
    %swap3A = arith.constant 0 : index
    %swap3A_34 = arith.constant 0 : index
    %swap3A_35 = arith.constant 0 : index
    %swap3A_36 = vector.load %arg8[%swap3A, %swap3A_34, %swap3A_35] : memref<1x256x4096xf32, #tpu.memory_space<vmem>>, vector<1x256x4096xf32>
    %swap3A_37 = vector.shape_cast %swap3A_36 : vector<1x256x4096xf32> to vector<256x4096xf32>
    %swap3A_38 = vector.shape_cast %dot_general3A_33 : vector<256x4096xf32> to vector<1x256x4096xf32>
    tpu.vector_store %arg8[%swap3A, %swap3A_34, %swap3A_35], %swap3A_38 {strides = array<i32>} : memref<1x256x4096xf32, #tpu.memory_space<vmem>>, vector<1x256x4096xf32>,
    %iota3A = tpu.iota {dimensions = array<i32: 1>} : vector<256x4096xi32>
    %reduce_min3A = arith.constant dense<0x7F800000> : vector<256xf32>
    %reduce_min3A_39 = vector.multi_reduction <minimumf>, %max3A_21, %reduce_min3A [1] : vector<256x4096xf32> to vector<256xf32>
    %broadcast_in_dim3A_40 = vector.shape_cast %reduce_min3A_39 : vector<256xf32> to vector<256x1xf32>
    %eq3A = vector.broadcast %broadcast_in_dim3A_40 : vector<256x1xf32> to vector<256x4096xf32>
    %eq3A_41 = arith.cmpf oeq, %max3A_21, %eq3A : vector<256x4096xf32>
    %jit3A = arith.constant 4096 : i32
    %broadcast_in_dim3A_42 = vector.broadcast %jit3A : i32 to vector<256x4096xi32>
    %select_n3A = arith.select %eq3A_41, %iota3A, %broadcast_in_dim3A_42 : vector<256x4096xi1>, vector<256x4096xi32>
    %reduce_min3A_43 = arith.constant dense<2147483647> : vector<256xi32>
    %reduce_min3A_44 = vector.multi_reduction <minsi>, %select_n3A, %reduce_min3A_43 [1] : vector<256x4096xi32> to vector<256xi32>
    %broadcast_in_dim3A_45 = vector.shape_cast %reduce_min3A_44 : vector<256xi32> to vector<256x1xi32>
    %eq3A_46 = vector.broadcast %broadcast_in_dim3A_45 : vector<256x1xi32> to vector<256x4096xi32>
    %eq3A_47 = arith.cmpi eq, %iota3A, %eq3A_46 : vector<256x4096xi32>
    %jit3A_48 = arith.constant 0x7F800000 : f32
    %broadcast_in_dim3A_49 = vector.broadcast %jit3A_48 : f32 to vector<256x4096xf32>
    %select_n3A_50 = arith.select %eq3A_47, %broadcast_in_dim3A_49, %max3A_21 : vector<256x4096xi1>, vector<256x4096xf32>
    %reduce_min3A_51 = arith.constant dense<0x7F800000> : vector<256xf32>
    %reduce_min3A_52 = vector.multi_reduction <minimumf>, %select_n3A_50, %reduce_min3A_51 [1] : vector<256x4096xf32> to vector<256xf32>
    %broadcast_in_dim3A_53 = vector.shape_cast %reduce_min3A_52 : vector<256xf32> to vector<256x1xf32>
    %eq3A_54 = vector.broadcast %broadcast_in_dim3A_53 : vector<256x1xf32> to vector<256x4096xf32>
    %eq3A_55 = arith.cmpf oeq, %select_n3A_50, %eq3A_54 : vector<256x4096xf32>
    %jit3A_56 = arith.constant 4096 : i32
    %broadcast_in_dim3A_57 = vector.broadcast %jit3A_56 : i32 to vector<256x4096xi32>
    %select_n3A_58 = arith.select %eq3A_55, %iota3A, %broadcast_in_dim3A_57 : vector<256x4096xi1>, vector<256x4096xi32>
    %reduce_min3A_59 = arith.constant dense<2147483647> : vector<256xi32>
    %reduce_min3A_60 = vector.multi_reduction <minsi>, %select_n3A_58, %reduce_min3A_59 [1] : vector<256x4096xi32> to vector<256xi32>
    %broadcast_in_dim3A_61 = vector.shape_cast %reduce_min3A_60 : vector<256xi32> to vector<256x1xi32>
    %eq3A_62 = vector.broadcast %broadcast_in_dim3A_61 : vector<256x1xi32> to vector<256x4096xi32>
    %eq3A_63 = arith.cmpi eq, %iota3A, %eq3A_62 : vector<256x4096xi32>
    %jit3A_64 = arith.constant 0x7F800000 : f32
    %broadcast_in_dim3A_65 = vector.broadcast %jit3A_64 : f32 to vector<256x4096xf32>
    %select_n3A_66 = arith.select %eq3A_63, %broadcast_in_dim3A_65, %select_n3A_50 : vector<256x4096xi1>, vector<256x4096xf32>
    %reduce_min3A_67 = arith.constant dense<0x7F800000> : vector<256xf32>
    %reduce_min3A_68 = vector.multi_reduction <minimumf>, %select_n3A_66, %reduce_min3A_67 [1] : vector<256x4096xf32> to vector<256xf32>
    %broadcast_in_dim3A_69 = vector.shape_cast %reduce_min3A_68 : vector<256xf32> to vector<256x1xf32>
    %eq3A_70 = vector.broadcast %broadcast_in_dim3A_69 : vector<256x1xf32> to vector<256x4096xf32>
    %eq3A_71 = arith.cmpf oeq, %select_n3A_66, %eq3A_70 : vector<256x4096xf32>
    %jit3A_72 = arith.constant 4096 : i32
    %broadcast_in_dim3A_73 = vector.broadcast %jit3A_72 : i32 to vector<256x4096xi32>
    %select_n3A_74 = arith.select %eq3A_71, %iota3A, %broadcast_in_dim3A_73 : vector<256x4096xi1>, vector<256x4096xi32>
    %reduce_min3A_75 = arith.constant dense<2147483647> : vector<256xi32>
    %reduce_min3A_76 = vector.multi_reduction <minsi>, %select_n3A_74, %reduce_min3A_75 [1] : vector<256x4096xi32> to vector<256xi32>
    %broadcast_in_dim3A_77 = vector.shape_cast %reduce_min3A_76 : vector<256xi32> to vector<256x1xi32>
    %eq3A_78 = vector.broadcast %broadcast_in_dim3A_77 : vector<256x1xi32> to vector<256x4096xi32>
    %eq3A_79 = arith.cmpi eq, %iota3A, %eq3A_78 : vector<256x4096xi32>
    %jit3A_80 = arith.constant 0x7F800000 : f32
    %broadcast_in_dim3A_81 = vector.broadcast %jit3A_80 : f32 to vector<256x4096xf32>
    %select_n3A_82 = arith.select %eq3A_79, %broadcast_in_dim3A_81, %select_n3A_66 : vector<256x4096xi1>, vector<256x4096xf32>
    %reduce_min3A_83 = arith.constant dense<0x7F800000> : vector<256xf32>
    %reduce_min3A_84 = vector.multi_reduction <minimumf>, %select_n3A_82, %reduce_min3A_83 [1] : vector<256x4096xf32> to vector<256xf32>
    %broadcast_in_dim3A_85 = vector.shape_cast %reduce_min3A_84 : vector<256xf32> to vector<256x1xf32>
    %eq3A_86 = vector.broadcast %broadcast_in_dim3A_85 : vector<256x1xf32> to vector<256x4096xf32>
    %eq3A_87 = arith.cmpf oeq, %select_n3A_82, %eq3A_86 : vector<256x4096xf32>
    %jit3A_88 = arith.constant 4096 : i32
    %broadcast_in_dim3A_89 = vector.broadcast %jit3A_88 : i32 to vector<256x4096xi32>
    %select_n3A_90 = arith.select %eq3A_87, %iota3A, %broadcast_in_dim3A_89 : vector<256x4096xi1>, vector<256x4096xi32>
    %reduce_min3A_91 = arith.constant dense<2147483647> : vector<256xi32>
    %reduce_min3A_92 = vector.multi_reduction <minsi>, %select_n3A_90, %reduce_min3A_91 [1] : vector<256x4096xi32> to vector<256xi32>
    %broadcast_in_dim3A_93 = vector.shape_cast %reduce_min3A_92 : vector<256xi32> to vector<256x1xi32>
    %eq3A_94 = vector.broadcast %broadcast_in_dim3A_93 : vector<256x1xi32> to vector<256x4096xi32>
    %eq3A_95 = arith.cmpi eq, %iota3A, %eq3A_94 : vector<256x4096xi32>
    %jit3A_96 = arith.constant 0x7F800000 : f32
    %broadcast_in_dim3A_97 = vector.broadcast %jit3A_96 : f32 to vector<256x4096xf32>
    %select_n3A_98 = arith.select %eq3A_95, %broadcast_in_dim3A_97, %select_n3A_82 : vector<256x4096xi1>, vector<256x4096xf32>
    %reduce_min3A_99 = arith.constant dense<0x7F800000> : vector<256xf32>
    %reduce_min3A_100 = vector.multi_reduction <minimumf>, %select_n3A_98, %reduce_min3A_99 [1] : vector<256x4096xf32> to vector<256xf32>
    %broadcast_in_dim3A_101 = vector.shape_cast %reduce_min3A_100 : vector<256xf32> to vector<256x1xf32>
    %eq3A_102 = vector.broadcast %broadcast_in_dim3A_101 : vector<256x1xf32> to vector<256x4096xf32>
    %eq3A_103 = arith.cmpf oeq, %select_n3A_98, %eq3A_102 : vector<256x4096xf32>
    %jit3A_104 = arith.constant 4096 : i32
    %broadcast_in_dim3A_105 = vector.broadcast %jit3A_104 : i32 to vector<256x4096xi32>
    %select_n3A_106 = arith.select %eq3A_103, %iota3A, %broadcast_in_dim3A_105 : vector<256x4096xi1>, vector<256x4096xi32>
    %reduce_min3A_107 = arith.constant dense<2147483647> : vector<256xi32>
    %reduce_min3A_108 = vector.multi_reduction <minsi>, %select_n3A_106, %reduce_min3A_107 [1] : vector<256x4096xi32> to vector<256xi32>
    %broadcast_in_dim3A_109 = vector.shape_cast %reduce_min3A_108 : vector<256xi32> to vector<256x1xi32>
    %eq3A_110 = vector.broadcast %broadcast_in_dim3A_109 : vector<256x1xi32> to vector<256x4096xi32>
    %eq3A_111 = arith.cmpi eq, %iota3A, %eq3A_110 : vector<256x4096xi32>
    %jit3A_112 = arith.constant 0x7F800000 : f32
    %broadcast_in_dim3A_113 = vector.broadcast %jit3A_112 : f32 to vector<256x4096xf32>
    %select_n3A_114 = arith.select %eq3A_111, %broadcast_in_dim3A_113, %select_n3A_98 : vector<256x4096xi1>, vector<256x4096xf32>
    %reduce_min3A_115 = arith.constant dense<0x7F800000> : vector<256xf32>
    %reduce_min3A_116 = vector.multi_reduction <minimumf>, %select_n3A_114, %reduce_min3A_115 [1] : vector<256x4096xf32> to vector<256xf32>
    %broadcast_in_dim3A_117 = vector.shape_cast %reduce_min3A_116 : vector<256xf32> to vector<256x1xf32>
    %eq3A_118 = vector.broadcast %broadcast_in_dim3A_117 : vector<256x1xf32> to vector<256x4096xf32>
    %eq3A_119 = arith.cmpf oeq, %select_n3A_114, %eq3A_118 : vector<256x4096xf32>
    %jit3A_120 = arith.constant 4096 : i32
    %broadcast_in_dim3A_121 = vector.broadcast %jit3A_120 : i32 to vector<256x4096xi32>
    %select_n3A_122 = arith.select %eq3A_119, %iota3A, %broadcast_in_dim3A_121 : vector<256x4096xi1>, vector<256x4096xi32>
    %reduce_min3A_123 = arith.constant dense<2147483647> : vector<256xi32>
    %reduce_min3A_124 = vector.multi_reduction <minsi>, %select_n3A_122, %reduce_min3A_123 [1] : vector<256x4096xi32> to vector<256xi32>
    %broadcast_in_dim3A_125 = vector.shape_cast %reduce_min3A_124 : vector<256xi32> to vector<256x1xi32>
    %eq3A_126 = vector.broadcast %broadcast_in_dim3A_125 : vector<256x1xi32> to vector<256x4096xi32>
    %eq3A_127 = arith.cmpi eq, %iota3A, %eq3A_126 : vector<256x4096xi32>
    %jit3A_128 = arith.constant 0x7F800000 : f32
    %broadcast_in_dim3A_129 = vector.broadcast %jit3A_128 : f32 to vector<256x4096xf32>
    %select_n3A_130 = arith.select %eq3A_127, %broadcast_in_dim3A_129, %select_n3A_114 : vector<256x4096xi1>, vector<256x4096xf32>
    %reduce_min3A_131 = arith.constant dense<0x7F800000> : vector<256xf32>
    %reduce_min3A_132 = vector.multi_reduction <minimumf>, %select_n3A_130, %reduce_min3A_131 [1] : vector<256x4096xf32> to vector<256xf32>
    %broadcast_in_dim3A_133 = vector.shape_cast %reduce_min3A_132 : vector<256xf32> to vector<256x1xf32>
    %eq3A_134 = vector.broadcast %broadcast_in_dim3A_133 : vector<256x1xf32> to vector<256x4096xf32>
    %eq3A_135 = arith.cmpf oeq, %select_n3A_130, %eq3A_134 : vector<256x4096xf32>
    %jit3A_136 = arith.constant 4096 : i32
    %broadcast_in_dim3A_137 = vector.broadcast %jit3A_136 : i32 to vector<256x4096xi32>
    %select_n3A_138 = arith.select %eq3A_135, %iota3A, %broadcast_in_dim3A_137 : vector<256x4096xi1>, vector<256x4096xi32>
    %reduce_min3A_139 = arith.constant dense<2147483647> : vector<256xi32>
    %reduce_min3A_140 = vector.multi_reduction <minsi>, %select_n3A_138, %reduce_min3A_139 [1] : vector<256x4096xi32> to vector<256xi32>
    %broadcast_in_dim3A_141 = vector.shape_cast %reduce_min3A_140 : vector<256xi32> to vector<256x1xi32>
    %eq3A_142 = vector.broadcast %broadcast_in_dim3A_141 : vector<256x1xi32> to vector<256x4096xi32>
    %eq3A_143 = arith.cmpi eq, %iota3A, %eq3A_142 : vector<256x4096xi32>
    %jit3A_144 = arith.constant 0x7F800000 : f32
    %broadcast_in_dim3A_145 = vector.broadcast %jit3A_144 : f32 to vector<256x4096xf32>
    %select_n3A_146 = arith.select %eq3A_143, %broadcast_in_dim3A_145, %select_n3A_130 : vector<256x4096xi1>, vector<256x4096xf32>
    %reduce_min3A_147 = arith.constant dense<0x7F800000> : vector<256xf32>
    %reduce_min3A_148 = vector.multi_reduction <minimumf>, %select_n3A_146, %reduce_min3A_147 [1] : vector<256x4096xf32> to vector<256xf32>
    %broadcast_in_dim3A_149 = vector.shape_cast %reduce_min3A_148 : vector<256xf32> to vector<256x1xf32>
    %eq3A_150 = vector.broadcast %broadcast_in_dim3A_149 : vector<256x1xf32> to vector<256x4096xf32>
    %eq3A_151 = arith.cmpf oeq, %select_n3A_146, %eq3A_150 : vector<256x4096xf32>
    %jit3A_152 = arith.constant 4096 : i32
    %broadcast_in_dim3A_153 = vector.broadcast %jit3A_152 : i32 to vector<256x4096xi32>
    %select_n3A_154 = arith.select %eq3A_151, %iota3A, %broadcast_in_dim3A_153 : vector<256x4096xi1>, vector<256x4096xi32>
    %reduce_min3A_155 = arith.constant dense<2147483647> : vector<256xi32>
    %reduce_min3A_156 = vector.multi_reduction <minsi>, %select_n3A_154, %reduce_min3A_155 [1] : vector<256x4096xi32> to vector<256xi32>
    %broadcast_in_dim3A_157 = vector.shape_cast %reduce_min3A_156 : vector<256xi32> to vector<256x1xi32>
    %eq3A_158 = vector.broadcast %broadcast_in_dim3A_157 : vector<256x1xi32> to vector<256x4096xi32>
    %eq3A_159 = arith.cmpi eq, %iota3A, %eq3A_158 : vector<256x4096xi32>
    %jit3A_160 = arith.constant 0x7F800000 : f32
    %broadcast_in_dim3A_161 = vector.broadcast %jit3A_160 : f32 to vector<256x4096xf32>
    %select_n3A_162 = arith.select %eq3A_159, %broadcast_in_dim3A_161, %select_n3A_146 : vector<256x4096xi1>, vector<256x4096xf32>
    %reduce_min3A_163 = arith.constant dense<0x7F800000> : vector<256xf32>
    %reduce_min3A_164 = vector.multi_reduction <minimumf>, %select_n3A_162, %reduce_min3A_163 [1] : vector<256x4096xf32> to vector<256xf32>
    %broadcast_in_dim3A_165 = vector.shape_cast %reduce_min3A_164 : vector<256xf32> to vector<256x1xf32>
    %eq3A_166 = vector.broadcast %broadcast_in_dim3A_165 : vector<256x1xf32> to vector<256x4096xf32>
    %eq3A_167 = arith.cmpf oeq, %select_n3A_162, %eq3A_166 : vector<256x4096xf32>
    %jit3A_168 = arith.constant 4096 : i32
    %broadcast_in_dim3A_169 = vector.broadcast %jit3A_168 : i32 to vector<256x4096xi32>
    %select_n3A_170 = arith.select %eq3A_167, %iota3A, %broadcast_in_dim3A_169 : vector<256x4096xi1>, vector<256x4096xi32>
    %reduce_min3A_171 = arith.constant dense<2147483647> : vector<256xi32>
    %reduce_min3A_172 = vector.multi_reduction <minsi>, %select_n3A_170, %reduce_min3A_171 [1] : vector<256x4096xi32> to vector<256xi32>
    %broadcast_in_dim3A_173 = vector.shape_cast %reduce_min3A_172 : vector<256xi32> to vector<256x1xi32>
    %eq3A_174 = vector.broadcast %broadcast_in_dim3A_173 : vector<256x1xi32> to vector<256x4096xi32>
    %eq3A_175 = arith.cmpi eq, %iota3A, %eq3A_174 : vector<256x4096xi32>
    %jit3A_176 = arith.constant 0x7F800000 : f32
    %broadcast_in_dim3A_177 = vector.broadcast %jit3A_176 : f32 to vector<256x4096xf32>
    %select_n3A_178 = arith.select %eq3A_175, %broadcast_in_dim3A_177, %select_n3A_162 : vector<256x4096xi1>, vector<256x4096xf32>
    %reduce_min3A_179 = arith.constant dense<0x7F800000> : vector<256xf32>
    %reduce_min3A_180 = vector.multi_reduction <minimumf>, %select_n3A_178, %reduce_min3A_179 [1] : vector<256x4096xf32> to vector<256xf32>
    %broadcast_in_dim3A_181 = vector.shape_cast %reduce_min3A_180 : vector<256xf32> to vector<256x1xf32>
    %eq3A_182 = vector.broadcast %broadcast_in_dim3A_181 : vector<256x1xf32> to vector<256x4096xf32>
    %eq3A_183 = arith.cmpf oeq, %select_n3A_178, %eq3A_182 : vector<256x4096xf32>
    %jit3A_184 = arith.constant 4096 : i32
    %broadcast_in_dim3A_185 = vector.broadcast %jit3A_184 : i32 to vector<256x4096xi32>
    %select_n3A_186 = arith.select %eq3A_183, %iota3A, %broadcast_in_dim3A_185 : vector<256x4096xi1>, vector<256x4096xi32>
    %reduce_min3A_187 = arith.constant dense<2147483647> : vector<256xi32>
    %reduce_min3A_188 = vector.multi_reduction <minsi>, %select_n3A_186, %reduce_min3A_187 [1] : vector<256x4096xi32> to vector<256xi32>
    %broadcast_in_dim3A_189 = vector.shape_cast %reduce_min3A_188 : vector<256xi32> to vector<256x1xi32>
    %eq3A_190 = vector.broadcast %broadcast_in_dim3A_189 : vector<256x1xi32> to vector<256x4096xi32>
    %eq3A_191 = arith.cmpi eq, %iota3A, %eq3A_190 : vector<256x4096xi32>
    %jit3A_192 = arith.constant 0x7F800000 : f32
    %broadcast_in_dim3A_193 = vector.broadcast %jit3A_192 : f32 to vector<256x4096xf32>
    %select_n3A_194 = arith.select %eq3A_191, %broadcast_in_dim3A_193, %select_n3A_178 : vector<256x4096xi1>, vector<256x4096xf32>
    %reduce_min3A_195 = arith.constant dense<0x7F800000> : vector<256xf32>
    %reduce_min3A_196 = vector.multi_reduction <minimumf>, %select_n3A_194, %reduce_min3A_195 [1] : vector<256x4096xf32> to vector<256xf32>
    %broadcast_in_dim3A_197 = vector.shape_cast %reduce_min3A_196 : vector<256xf32> to vector<256x1xf32>
    %eq3A_198 = vector.broadcast %broadcast_in_dim3A_197 : vector<256x1xf32> to vector<256x4096xf32>
    %eq3A_199 = arith.cmpf oeq, %select_n3A_194, %eq3A_198 : vector<256x4096xf32>
    %jit3A_200 = arith.constant 4096 : i32
    %broadcast_in_dim3A_201 = vector.broadcast %jit3A_200 : i32 to vector<256x4096xi32>
    %select_n3A_202 = arith.select %eq3A_199, %iota3A, %broadcast_in_dim3A_201 : vector<256x4096xi1>, vector<256x4096xi32>
    %reduce_min3A_203 = arith.constant dense<2147483647> : vector<256xi32>
    %reduce_min3A_204 = vector.multi_reduction <minsi>, %select_n3A_202, %reduce_min3A_203 [1] : vector<256x4096xi32> to vector<256xi32>
    %broadcast_in_dim3A_205 = vector.shape_cast %reduce_min3A_204 : vector<256xi32> to vector<256x1xi32>
    %eq3A_206 = vector.broadcast %broadcast_in_dim3A_205 : vector<256x1xi32> to vector<256x4096xi32>
    %eq3A_207 = arith.cmpi eq, %iota3A, %eq3A_206 : vector<256x4096xi32>
    %jit3A_208 = arith.constant 0x7F800000 : f32
    %broadcast_in_dim3A_209 = vector.broadcast %jit3A_208 : f32 to vector<256x4096xf32>
    %select_n3A_210 = arith.select %eq3A_207, %broadcast_in_dim3A_209, %select_n3A_194 : vector<256x4096xi1>, vector<256x4096xf32>
    %reduce_min3A_211 = arith.constant dense<0x7F800000> : vector<256xf32>
    %reduce_min3A_212 = vector.multi_reduction <minimumf>, %select_n3A_210, %reduce_min3A_211 [1] : vector<256x4096xf32> to vector<256xf32>
    %broadcast_in_dim3A_213 = vector.shape_cast %reduce_min3A_212 : vector<256xf32> to vector<256x1xf32>
    %eq3A_214 = vector.broadcast %broadcast_in_dim3A_213 : vector<256x1xf32> to vector<256x4096xf32>
    %eq3A_215 = arith.cmpf oeq, %select_n3A_210, %eq3A_214 : vector<256x4096xf32>
    %jit3A_216 = arith.constant 4096 : i32
    %broadcast_in_dim3A_217 = vector.broadcast %jit3A_216 : i32 to vector<256x4096xi32>
    %select_n3A_218 = arith.select %eq3A_215, %iota3A, %broadcast_in_dim3A_217 : vector<256x4096xi1>, vector<256x4096xi32>
    %reduce_min3A_219 = arith.constant dense<2147483647> : vector<256xi32>
    %reduce_min3A_220 = vector.multi_reduction <minsi>, %select_n3A_218, %reduce_min3A_219 [1] : vector<256x4096xi32> to vector<256xi32>
    %broadcast_in_dim3A_221 = vector.shape_cast %reduce_min3A_220 : vector<256xi32> to vector<256x1xi32>
    %eq3A_222 = vector.broadcast %broadcast_in_dim3A_221 : vector<256x1xi32> to vector<256x4096xi32>
    %eq3A_223 = arith.cmpi eq, %iota3A, %eq3A_222 : vector<256x4096xi32>
    %jit3A_224 = arith.constant 0x7F800000 : f32
    %broadcast_in_dim3A_225 = vector.broadcast %jit3A_224 : f32 to vector<256x4096xf32>
    %select_n3A_226 = arith.select %eq3A_223, %broadcast_in_dim3A_225, %select_n3A_210 : vector<256x4096xi1>, vector<256x4096xf32>
    %reduce_min3A_227 = arith.constant dense<0x7F800000> : vector<256xf32>
    %reduce_min3A_228 = vector.multi_reduction <minimumf>, %select_n3A_226, %reduce_min3A_227 [1] : vector<256x4096xf32> to vector<256xf32>
    %broadcast_in_dim3A_229 = vector.shape_cast %reduce_min3A_228 : vector<256xf32> to vector<256x1xf32>
    %eq3A_230 = vector.broadcast %broadcast_in_dim3A_229 : vector<256x1xf32> to vector<256x4096xf32>
    %eq3A_231 = arith.cmpf oeq, %select_n3A_226, %eq3A_230 : vector<256x4096xf32>
    %jit3A_232 = arith.constant 4096 : i32
    %broadcast_in_dim3A_233 = vector.broadcast %jit3A_232 : i32 to vector<256x4096xi32>
    %select_n3A_234 = arith.select %eq3A_231, %iota3A, %broadcast_in_dim3A_233 : vector<256x4096xi1>, vector<256x4096xi32>
    %reduce_min3A_235 = arith.constant dense<2147483647> : vector<256xi32>
    %reduce_min3A_236 = vector.multi_reduction <minsi>, %select_n3A_234, %reduce_min3A_235 [1] : vector<256x4096xi32> to vector<256xi32>
    %broadcast_in_dim3A_237 = vector.shape_cast %reduce_min3A_236 : vector<256xi32> to vector<256x1xi32>
    %eq3A_238 = vector.broadcast %broadcast_in_dim3A_237 : vector<256x1xi32> to vector<256x4096xi32>
    %eq3A_239 = arith.cmpi eq, %iota3A, %eq3A_238 : vector<256x4096xi32>
    %jit3A_240 = arith.constant 0x7F800000 : f32
    %broadcast_in_dim3A_241 = vector.broadcast %jit3A_240 : f32 to vector<256x4096xf32>
    %select_n3A_242 = arith.select %eq3A_239, %broadcast_in_dim3A_241, %select_n3A_226 : vector<256x4096xi1>, vector<256x4096xf32>
    %reduce_min3A_243 = arith.constant dense<0x7F800000> : vector<256xf32>
    %reduce_min3A_244 = vector.multi_reduction <minimumf>, %select_n3A_242, %reduce_min3A_243 [1] : vector<256x4096xf32> to vector<256xf32>
    %broadcast_in_dim3A_245 = vector.shape_cast %reduce_min3A_244 : vector<256xf32> to vector<256x1xf32>
    %eq3A_246 = vector.broadcast %broadcast_in_dim3A_245 : vector<256x1xf32> to vector<256x4096xf32>
    %eq3A_247 = arith.cmpf oeq, %select_n3A_242, %eq3A_246 : vector<256x4096xf32>
    %jit3A_248 = arith.constant 4096 : i32
    %broadcast_in_dim3A_249 = vector.broadcast %jit3A_248 : i32 to vector<256x4096xi32>
    %select_n3A_250 = arith.select %eq3A_247, %iota3A, %broadcast_in_dim3A_249 : vector<256x4096xi1>, vector<256x4096xi32>
    %reduce_min3A_251 = arith.constant dense<2147483647> : vector<256xi32>
    %reduce_min3A_252 = vector.multi_reduction <minsi>, %select_n3A_250, %reduce_min3A_251 [1] : vector<256x4096xi32> to vector<256xi32>
    %broadcast_in_dim3A_253 = vector.shape_cast %reduce_min3A_252 : vector<256xi32> to vector<256x1xi32>
    %eq3A_254 = vector.broadcast %broadcast_in_dim3A_253 : vector<256x1xi32> to vector<256x4096xi32>
    %eq3A_255 = arith.cmpi eq, %iota3A, %eq3A_254 : vector<256x4096xi32>
    %jit3A_256 = arith.constant 0x7F800000 : f32
    %broadcast_in_dim3A_257 = vector.broadcast %jit3A_256 : f32 to vector<256x4096xf32>
    %select_n3A_258 = arith.select %eq3A_255, %broadcast_in_dim3A_257, %select_n3A_242 : vector<256x4096xi1>, vector<256x4096xf32>
    %reduce_min3A_259 = arith.constant dense<0x7F800000> : vector<256xf32>
    %reduce_min3A_260 = vector.multi_reduction <minimumf>, %select_n3A_258, %reduce_min3A_259 [1] : vector<256x4096xf32> to vector<256xf32>
    %broadcast_in_dim3A_261 = vector.shape_cast %reduce_min3A_260 : vector<256xf32> to vector<256x1xf32>
    %eq3A_262 = vector.broadcast %broadcast_in_dim3A_261 : vector<256x1xf32> to vector<256x4096xf32>
    %eq3A_263 = arith.cmpf oeq, %select_n3A_258, %eq3A_262 : vector<256x4096xf32>
    %jit3A_264 = arith.constant 4096 : i32
    %broadcast_in_dim3A_265 = vector.broadcast %jit3A_264 : i32 to vector<256x4096xi32>
    %select_n3A_266 = arith.select %eq3A_263, %iota3A, %broadcast_in_dim3A_265 : vector<256x4096xi1>, vector<256x4096xi32>
    %reduce_min3A_267 = arith.constant dense<2147483647> : vector<256xi32>
    %reduce_min3A_268 = vector.multi_reduction <minsi>, %select_n3A_266, %reduce_min3A_267 [1] : vector<256x4096xi32> to vector<256xi32>
    %broadcast_in_dim3A_269 = vector.shape_cast %reduce_min3A_268 : vector<256xi32> to vector<256x1xi32>
    %eq3A_270 = vector.broadcast %broadcast_in_dim3A_269 : vector<256x1xi32> to vector<256x4096xi32>
    %eq3A_271 = arith.cmpi eq, %iota3A, %eq3A_270 : vector<256x4096xi32>
    %jit3A_272 = arith.constant 0x7F800000 : f32
    %broadcast_in_dim3A_273 = vector.broadcast %jit3A_272 : f32 to vector<256x4096xf32>
    %select_n3A_274 = arith.select %eq3A_271, %broadcast_in_dim3A_273, %select_n3A_258 : vector<256x4096xi1>, vector<256x4096xf32>
    %reduce_min3A_275 = arith.constant dense<0x7F800000> : vector<256xf32>
    %reduce_min3A_276 = vector.multi_reduction <minimumf>, %select_n3A_274, %reduce_min3A_275 [1] : vector<256x4096xf32> to vector<256xf32>
    %broadcast_in_dim3A_277 = vector.shape_cast %reduce_min3A_276 : vector<256xf32> to vector<256x1xf32>
    %eq3A_278 = vector.broadcast %broadcast_in_dim3A_277 : vector<256x1xf32> to vector<256x4096xf32>
    %eq3A_279 = arith.cmpf oeq, %select_n3A_274, %eq3A_278 : vector<256x4096xf32>
    %jit3A_280 = arith.constant 4096 : i32
    %broadcast_in_dim3A_281 = vector.broadcast %jit3A_280 : i32 to vector<256x4096xi32>
    %select_n3A_282 = arith.select %eq3A_279, %iota3A, %broadcast_in_dim3A_281 : vector<256x4096xi1>, vector<256x4096xi32>
    %reduce_min3A_283 = arith.constant dense<2147483647> : vector<256xi32>
    %reduce_min3A_284 = vector.multi_reduction <minsi>, %select_n3A_282, %reduce_min3A_283 [1] : vector<256x4096xi32> to vector<256xi32>
    %broadcast_in_dim3A_285 = vector.shape_cast %reduce_min3A_284 : vector<256xi32> to vector<256x1xi32>
    %eq3A_286 = vector.broadcast %broadcast_in_dim3A_285 : vector<256x1xi32> to vector<256x4096xi32>
    %eq3A_287 = arith.cmpi eq, %iota3A, %eq3A_286 : vector<256x4096xi32>
    %jit3A_288 = arith.constant 0x7F800000 : f32
    %broadcast_in_dim3A_289 = vector.broadcast %jit3A_288 : f32 to vector<256x4096xf32>
    %select_n3A_290 = arith.select %eq3A_287, %broadcast_in_dim3A_289, %select_n3A_274 : vector<256x4096xi1>, vector<256x4096xf32>
    %reduce_min3A_291 = arith.constant dense<0x7F800000> : vector<256xf32>
    %reduce_min3A_292 = vector.multi_reduction <minimumf>, %select_n3A_290, %reduce_min3A_291 [1] : vector<256x4096xf32> to vector<256xf32>
    %broadcast_in_dim3A_293 = vector.shape_cast %reduce_min3A_292 : vector<256xf32> to vector<256x1xf32>
    %eq3A_294 = vector.broadcast %broadcast_in_dim3A_293 : vector<256x1xf32> to vector<256x4096xf32>
    %eq3A_295 = arith.cmpf oeq, %select_n3A_290, %eq3A_294 : vector<256x4096xf32>
    %jit3A_296 = arith.constant 4096 : i32
    %broadcast_in_dim3A_297 = vector.broadcast %jit3A_296 : i32 to vector<256x4096xi32>
    %select_n3A_298 = arith.select %eq3A_295, %iota3A, %broadcast_in_dim3A_297 : vector<256x4096xi1>, vector<256x4096xi32>
    %reduce_min3A_299 = arith.constant dense<2147483647> : vector<256xi32>
    %reduce_min3A_300 = vector.multi_reduction <minsi>, %select_n3A_298, %reduce_min3A_299 [1] : vector<256x4096xi32> to vector<256xi32>
    %broadcast_in_dim3A_301 = vector.shape_cast %reduce_min3A_300 : vector<256xi32> to vector<256x1xi32>
    %eq3A_302 = vector.broadcast %broadcast_in_dim3A_301 : vector<256x1xi32> to vector<256x4096xi32>
    %eq3A_303 = arith.cmpi eq, %iota3A, %eq3A_302 : vector<256x4096xi32>
    %jit3A_304 = arith.constant 0x7F800000 : f32
    %broadcast_in_dim3A_305 = vector.broadcast %jit3A_304 : f32 to vector<256x4096xf32>
    %select_n3A_306 = arith.select %eq3A_303, %broadcast_in_dim3A_305, %select_n3A_290 : vector<256x4096xi1>, vector<256x4096xf32>
    %reduce_min3A_307 = arith.constant dense<0x7F800000> : vector<256xf32>
    %reduce_min3A_308 = vector.multi_reduction <minimumf>, %select_n3A_306, %reduce_min3A_307 [1] : vector<256x4096xf32> to vector<256xf32>
    %broadcast_in_dim3A_309 = vector.shape_cast %reduce_min3A_308 : vector<256xf32> to vector<256x1xf32>
    %eq3A_310 = vector.broadcast %broadcast_in_dim3A_309 : vector<256x1xf32> to vector<256x4096xf32>
    %eq3A_311 = arith.cmpf oeq, %select_n3A_306, %eq3A_310 : vector<256x4096xf32>
    %jit3A_312 = arith.constant 4096 : i32
    %broadcast_in_dim3A_313 = vector.broadcast %jit3A_312 : i32 to vector<256x4096xi32>
    %select_n3A_314 = arith.select %eq3A_311, %iota3A, %broadcast_in_dim3A_313 : vector<256x4096xi1>, vector<256x4096xi32>
    %reduce_min3A_315 = arith.constant dense<2147483647> : vector<256xi32>
    %reduce_min3A_316 = vector.multi_reduction <minsi>, %select_n3A_314, %reduce_min3A_315 [1] : vector<256x4096xi32> to vector<256xi32>
    %broadcast_in_dim3A_317 = vector.shape_cast %reduce_min3A_316 : vector<256xi32> to vector<256x1xi32>
    %eq3A_318 = vector.broadcast %broadcast_in_dim3A_317 : vector<256x1xi32> to vector<256x4096xi32>
    %eq3A_319 = arith.cmpi eq, %iota3A, %eq3A_318 : vector<256x4096xi32>
    %jit3A_320 = arith.constant 0x7F800000 : f32
    %broadcast_in_dim3A_321 = vector.broadcast %jit3A_320 : f32 to vector<256x4096xf32>
    %select_n3A_322 = arith.select %eq3A_319, %broadcast_in_dim3A_321, %select_n3A_306 : vector<256x4096xi1>, vector<256x4096xf32>
    %reduce_min3A_323 = arith.constant dense<0x7F800000> : vector<256xf32>
    %reduce_min3A_324 = vector.multi_reduction <minimumf>, %select_n3A_322, %reduce_min3A_323 [1] : vector<256x4096xf32> to vector<256xf32>
    %broadcast_in_dim3A_325 = vector.shape_cast %reduce_min3A_324 : vector<256xf32> to vector<256x1xf32>
    %eq3A_326 = vector.broadcast %broadcast_in_dim3A_325 : vector<256x1xf32> to vector<256x4096xf32>
    %eq3A_327 = arith.cmpf oeq, %select_n3A_322, %eq3A_326 : vector<256x4096xf32>
    %jit3A_328 = arith.constant 4096 : i32
    %broadcast_in_dim3A_329 = vector.broadcast %jit3A_328 : i32 to vector<256x4096xi32>
    %select_n3A_330 = arith.select %eq3A_327, %iota3A, %broadcast_in_dim3A_329 : vector<256x4096xi1>, vector<256x4096xi32>
    %reduce_min3A_331 = arith.constant dense<2147483647> : vector<256xi32>
    %reduce_min3A_332 = vector.multi_reduction <minsi>, %select_n3A_330, %reduce_min3A_331 [1] : vector<256x4096xi32> to vector<256xi32>
    %broadcast_in_dim3A_333 = vector.shape_cast %reduce_min3A_332 : vector<256xi32> to vector<256x1xi32>
    %eq3A_334 = vector.broadcast %broadcast_in_dim3A_333 : vector<256x1xi32> to vector<256x4096xi32>
    %eq3A_335 = arith.cmpi eq, %iota3A, %eq3A_334 : vector<256x4096xi32>
    %jit3A_336 = arith.constant 0x7F800000 : f32
    %broadcast_in_dim3A_337 = vector.broadcast %jit3A_336 : f32 to vector<256x4096xf32>
    %select_n3A_338 = arith.select %eq3A_335, %broadcast_in_dim3A_337, %select_n3A_322 : vector<256x4096xi1>, vector<256x4096xf32>
    %reduce_min3A_339 = arith.constant dense<0x7F800000> : vector<256xf32>
    %reduce_min3A_340 = vector.multi_reduction <minimumf>, %select_n3A_338, %reduce_min3A_339 [1] : vector<256x4096xf32> to vector<256xf32>
    %broadcast_in_dim3A_341 = vector.shape_cast %reduce_min3A_340 : vector<256xf32> to vector<256x1xf32>
    %eq3A_342 = vector.broadcast %broadcast_in_dim3A_341 : vector<256x1xf32> to vector<256x4096xf32>
    %eq3A_343 = arith.cmpf oeq, %select_n3A_338, %eq3A_342 : vector<256x4096xf32>
    %jit3A_344 = arith.constant 4096 : i32
    %broadcast_in_dim3A_345 = vector.broadcast %jit3A_344 : i32 to vector<256x4096xi32>
    %select_n3A_346 = arith.select %eq3A_343, %iota3A, %broadcast_in_dim3A_345 : vector<256x4096xi1>, vector<256x4096xi32>
    %reduce_min3A_347 = arith.constant dense<2147483647> : vector<256xi32>
    %reduce_min3A_348 = vector.multi_reduction <minsi>, %select_n3A_346, %reduce_min3A_347 [1] : vector<256x4096xi32> to vector<256xi32>
    %broadcast_in_dim3A_349 = vector.shape_cast %reduce_min3A_348 : vector<256xi32> to vector<256x1xi32>
    %eq3A_350 = vector.broadcast %broadcast_in_dim3A_349 : vector<256x1xi32> to vector<256x4096xi32>
    %eq3A_351 = arith.cmpi eq, %iota3A, %eq3A_350 : vector<256x4096xi32>
    %jit3A_352 = arith.constant 0x7F800000 : f32
    %broadcast_in_dim3A_353 = vector.broadcast %jit3A_352 : f32 to vector<256x4096xf32>
    %select_n3A_354 = arith.select %eq3A_351, %broadcast_in_dim3A_353, %select_n3A_338 : vector<256x4096xi1>, vector<256x4096xf32>
    %reduce_min3A_355 = arith.constant dense<0x7F800000> : vector<256xf32>
    %reduce_min3A_356 = vector.multi_reduction <minimumf>, %select_n3A_354, %reduce_min3A_355 [1] : vector<256x4096xf32> to vector<256xf32>
    %broadcast_in_dim3A_357 = vector.shape_cast %reduce_min3A_356 : vector<256xf32> to vector<256x1xf32>
    %eq3A_358 = vector.broadcast %broadcast_in_dim3A_357 : vector<256x1xf32> to vector<256x4096xf32>
    %eq3A_359 = arith.cmpf oeq, %select_n3A_354, %eq3A_358 : vector<256x4096xf32>
    %jit3A_360 = arith.constant 4096 : i32
    %broadcast_in_dim3A_361 = vector.broadcast %jit3A_360 : i32 to vector<256x4096xi32>
    %select_n3A_362 = arith.select %eq3A_359, %iota3A, %broadcast_in_dim3A_361 : vector<256x4096xi1>, vector<256x4096xi32>
    %reduce_min3A_363 = arith.constant dense<2147483647> : vector<256xi32>
    %reduce_min3A_364 = vector.multi_reduction <minsi>, %select_n3A_362, %reduce_min3A_363 [1] : vector<256x4096xi32> to vector<256xi32>
    %broadcast_in_dim3A_365 = vector.shape_cast %reduce_min3A_364 : vector<256xi32> to vector<256x1xi32>
    %eq3A_366 = vector.broadcast %broadcast_in_dim3A_365 : vector<256x1xi32> to vector<256x4096xi32>
    %eq3A_367 = arith.cmpi eq, %iota3A, %eq3A_366 : vector<256x4096xi32>
    %jit3A_368 = arith.constant 0x7F800000 : f32
    %broadcast_in_dim3A_369 = vector.broadcast %jit3A_368 : f32 to vector<256x4096xf32>
    %select_n3A_370 = arith.select %eq3A_367, %broadcast_in_dim3A_369, %select_n3A_354 : vector<256x4096xi1>, vector<256x4096xf32>
    %reduce_min3A_371 = arith.constant dense<0x7F800000> : vector<256xf32>
    %reduce_min3A_372 = vector.multi_reduction <minimumf>, %select_n3A_370, %reduce_min3A_371 [1] : vector<256x4096xf32> to vector<256xf32>
    %broadcast_in_dim3A_373 = vector.shape_cast %reduce_min3A_372 : vector<256xf32> to vector<256x1xf32>
    %eq3A_374 = vector.broadcast %broadcast_in_dim3A_373 : vector<256x1xf32> to vector<256x4096xf32>
    %eq3A_375 = arith.cmpf oeq, %select_n3A_370, %eq3A_374 : vector<256x4096xf32>
    %jit3A_376 = arith.constant 4096 : i32
    %broadcast_in_dim3A_377 = vector.broadcast %jit3A_376 : i32 to vector<256x4096xi32>
    %select_n3A_378 = arith.select %eq3A_375, %iota3A, %broadcast_in_dim3A_377 : vector<256x4096xi1>, vector<256x4096xi32>
    %reduce_min3A_379 = arith.constant dense<2147483647> : vector<256xi32>
    %reduce_min3A_380 = vector.multi_reduction <minsi>, %select_n3A_378, %reduce_min3A_379 [1] : vector<256x4096xi32> to vector<256xi32>
    %broadcast_in_dim3A_381 = vector.shape_cast %reduce_min3A_380 : vector<256xi32> to vector<256x1xi32>
    %eq3A_382 = vector.broadcast %broadcast_in_dim3A_381 : vector<256x1xi32> to vector<256x4096xi32>
    %eq3A_383 = arith.cmpi eq, %iota3A, %eq3A_382 : vector<256x4096xi32>
    %jit3A_384 = arith.constant 0x7F800000 : f32
    %broadcast_in_dim3A_385 = vector.broadcast %jit3A_384 : f32 to vector<256x4096xf32>
    %select_n3A_386 = arith.select %eq3A_383, %broadcast_in_dim3A_385, %select_n3A_370 : vector<256x4096xi1>, vector<256x4096xf32>
    %reduce_min3A_387 = arith.constant dense<0x7F800000> : vector<256xf32>
    %reduce_min3A_388 = vector.multi_reduction <minimumf>, %select_n3A_386, %reduce_min3A_387 [1] : vector<256x4096xf32> to vector<256xf32>
    %broadcast_in_dim3A_389 = vector.shape_cast %reduce_min3A_388 : vector<256xf32> to vector<256x1xf32>
    %eq3A_390 = vector.broadcast %broadcast_in_dim3A_389 : vector<256x1xf32> to vector<256x4096xf32>
    %eq3A_391 = arith.cmpf oeq, %select_n3A_386, %eq3A_390 : vector<256x4096xf32>
    %jit3A_392 = arith.constant 4096 : i32
    %broadcast_in_dim3A_393 = vector.broadcast %jit3A_392 : i32 to vector<256x4096xi32>
    %select_n3A_394 = arith.select %eq3A_391, %iota3A, %broadcast_in_dim3A_393 : vector<256x4096xi1>, vector<256x4096xi32>
    %reduce_min3A_395 = arith.constant dense<2147483647> : vector<256xi32>
    %reduce_min3A_396 = vector.multi_reduction <minsi>, %select_n3A_394, %reduce_min3A_395 [1] : vector<256x4096xi32> to vector<256xi32>
    %broadcast_in_dim3A_397 = vector.shape_cast %reduce_min3A_396 : vector<256xi32> to vector<256x1xi32>
    %eq3A_398 = vector.broadcast %broadcast_in_dim3A_397 : vector<256x1xi32> to vector<256x4096xi32>
    %eq3A_399 = arith.cmpi eq, %iota3A, %eq3A_398 : vector<256x4096xi32>
    %jit3A_400 = arith.constant 0x7F800000 : f32
    %broadcast_in_dim3A_401 = vector.broadcast %jit3A_400 : f32 to vector<256x4096xf32>
    %select_n3A_402 = arith.select %eq3A_399, %broadcast_in_dim3A_401, %select_n3A_386 : vector<256x4096xi1>, vector<256x4096xf32>
    %reduce_min3A_403 = arith.constant dense<0x7F800000> : vector<256xf32>
    %reduce_min3A_404 = vector.multi_reduction <minimumf>, %select_n3A_402, %reduce_min3A_403 [1] : vector<256x4096xf32> to vector<256xf32>
    %broadcast_in_dim3A_405 = vector.shape_cast %reduce_min3A_404 : vector<256xf32> to vector<256x1xf32>
    %eq3A_406 = vector.broadcast %broadcast_in_dim3A_405 : vector<256x1xf32> to vector<256x4096xf32>
    %eq3A_407 = arith.cmpf oeq, %select_n3A_402, %eq3A_406 : vector<256x4096xf32>
    %jit3A_408 = arith.constant 4096 : i32
    %broadcast_in_dim3A_409 = vector.broadcast %jit3A_408 : i32 to vector<256x4096xi32>
    %select_n3A_410 = arith.select %eq3A_407, %iota3A, %broadcast_in_dim3A_409 : vector<256x4096xi1>, vector<256x4096xi32>
    %reduce_min3A_411 = arith.constant dense<2147483647> : vector<256xi32>
    %reduce_min3A_412 = vector.multi_reduction <minsi>, %select_n3A_410, %reduce_min3A_411 [1] : vector<256x4096xi32> to vector<256xi32>
    %broadcast_in_dim3A_413 = vector.shape_cast %reduce_min3A_412 : vector<256xi32> to vector<256x1xi32>
    %concatenate3A = tpu.concatenate %broadcast_in_dim3A_45, %broadcast_in_dim3A_61, %broadcast_in_dim3A_77, %broadcast_in_dim3A_93, %broadcast_in_dim3A_109, %broadcast_in_dim3A_125, %broadcast_in_dim3A_141, %broadcast_in_dim3A_157, %broadcast_in_dim3A_173, %broadcast_in_dim3A_189, %broadcast_in_dim3A_205, %broadcast_in_dim3A_221, %broadcast_in_dim3A_237, %broadcast_in_dim3A_253, %broadcast_in_dim3A_269, %broadcast_in_dim3A_285, %broadcast_in_dim3A_301, %broadcast_in_dim3A_317, %broadcast_in_dim3A_333, %broadcast_in_dim3A_349, %broadcast_in_dim3A_365, %broadcast_in_dim3A_381, %broadcast_in_dim3A_397, %broadcast_in_dim3A_413 in 1 : vector<256x1xi32>, vector<256x1xi32>, vector<256x1xi32>, vector<256x1xi32>, vector<256x1xi32>, vector<256x1xi32>, vector<256x1xi32>, vector<256x1xi32>, vector<256x1xi32>, vector<256x1xi32>, vector<256x1xi32>, vector<256x1xi32>, vector<256x1xi32>, vector<256x1xi32>, vector<256x1xi32>, vector<256x1xi32>, vector<256x1xi32>, vector<256x1xi32>, vector<256x1xi32>, vector<256x1xi32>, vector<256x1xi32>, vector<256x1xi32>, vector<256x1xi32>, vector<256x1xi32> -> vector<256x24xi32>
    %swap3A_414 = arith.constant 0 : index
    %swap3A_415 = arith.constant 0 : index
    %swap3A_416 = arith.constant 0 : index
    %swap3A_417 = vector.load %arg6[%swap3A_414, %swap3A_415, %swap3A_416] : memref<1x256x24xi32, #tpu.memory_space<vmem>>, vector<1x256x24xi32>
    %swap3A_418 = vector.shape_cast %swap3A_417 : vector<1x256x24xi32> to vector<256x24xi32>
    %swap3A_419 = vector.shape_cast %concatenate3A : vector<256x24xi32> to vector<1x256x24xi32>
    tpu.vector_store %arg6[%swap3A_414, %swap3A_415, %swap3A_416], %swap3A_419 {strides = array<i32>} : memref<1x256x24xi32, #tpu.memory_space<vmem>>, vector<1x256x24xi32>,
    %concatenate3A_420 = tpu.concatenate %broadcast_in_dim3A_40, %broadcast_in_dim3A_53, %broadcast_in_dim3A_69, %broadcast_in_dim3A_85, %broadcast_in_dim3A_101, %broadcast_in_dim3A_117, %broadcast_in_dim3A_133, %broadcast_in_dim3A_149, %broadcast_in_dim3A_165, %broadcast_in_dim3A_181, %broadcast_in_dim3A_197, %broadcast_in_dim3A_213, %broadcast_in_dim3A_229, %broadcast_in_dim3A_245, %broadcast_in_dim3A_261, %broadcast_in_dim3A_277, %broadcast_in_dim3A_293, %broadcast_in_dim3A_309, %broadcast_in_dim3A_325, %broadcast_in_dim3A_341, %broadcast_in_dim3A_357, %broadcast_in_dim3A_373, %broadcast_in_dim3A_389, %broadcast_in_dim3A_405 in 1 : vector<256x1xf32>, vector<256x1xf32>, vector<256x1xf32>, vector<256x1xf32>, vector<256x1xf32>, vector<256x1xf32>, vector<256x1xf32>, vector<256x1xf32>, vector<256x1xf32>, vector<256x1xf32>, vector<256x1xf32>, vector<256x1xf32>, vector<256x1xf32>, vector<256x1xf32>, vector<256x1xf32>, vector<256x1xf32>, vector<256x1xf32>, vector<256x1xf32>, vector<256x1xf32>, vector<256x1xf32>, vector<256x1xf32>, vector<256x1xf32>, vector<256x1xf32>, vector<256x1xf32> -> vector<256x24xf32>
    %swap3A_421 = arith.constant 0 : index
    %swap3A_422 = arith.constant 0 : index
    %swap3A_423 = arith.constant 0 : index
    %swap3A_424 = vector.load %arg7[%swap3A_421, %swap3A_422, %swap3A_423] : memref<1x256x24xf32, #tpu.memory_space<vmem>>, vector<1x256x24xf32>
    %swap3A_425 = vector.shape_cast %swap3A_424 : vector<1x256x24xf32> to vector<256x24xf32>
    %swap3A_426 = vector.shape_cast %concatenate3A_420 : vector<256x24xf32> to vector<1x256x24xf32>
    tpu.vector_store %arg7[%swap3A_421, %swap3A_422, %swap3A_423], %swap3A_426 {strides = array<i32>} : memref<1x256x24xf32, #tpu.memory_space<vmem>>, vector<1x256x24xf32>,
    return
  }
  func.func @transform_0(%arg0: i32, %arg1: i32) -> (i32, i32, i32) {
    %c0_i32 = arith.constant 0 : i32
    %c0_i32_0 = arith.constant 0 : i32
    return %arg0, %arg1, %c0_i32 : i32, i32, i32
  }
  func.func @transform_1(%arg0: i32, %arg1: i32) -> (i32, i32, i32) {
    %c0_i32 = arith.constant 0 : i32
    %c0_i32_0 = arith.constant 0 : i32
    %c0_i32_1 = arith.constant 0 : i32
    return %arg0, %c0_i32, %c0_i32_0 : i32, i32, i32
  }
  func.func @transform_2(%arg0: i32, %arg1: i32) -> (i32, i32, i32) {
    %c0_i32 = arith.constant 0 : i32
    %c0_i32_0 = arith.constant 0 : i32
    return %arg0, %arg1, %c0_i32 : i32, i32, i32
  }
  func.func @transform_3(%arg0: i32, %arg1: i32) -> (i32, i32, i32) {
    %c0_i32 = arith.constant 0 : i32
    %c0_i32_0 = arith.constant 0 : i32
    %c0_i32_1 = arith.constant 0 : i32
    return %arg0, %c0_i32, %c0_i32_0 : i32, i32, i32
  }
  func.func @transform_4(%arg0: i32, %arg1: i32) -> (i32, i32, i32) {
    %c0_i32 = arith.constant 0 : i32
    %c0_i32_0 = arith.constant 0 : i32
    return %arg0, %arg1, %c0_i32 : i32, i32, i32
  }
  func.func @transform_5(%arg0: i32, %arg1: i32) -> (i32, i32, i32) {
    %c0_i32 = arith.constant 0 : i32
    %c0_i32_0 = arith.constant 0 : i32
    return %arg0, %arg1, %c0_i32 : i32, i32, i32
  }
  func.func @transform_6(%arg0: i32, %arg1: i32) -> (i32, i32, i32) {
    %c0_i32 = arith.constant 0 : i32
    %c0_i32_0 = arith.constant 0 : i32
    return %arg0, %arg1, %c0_i32 : i32, i32, i32
  }
}

module attributes {stable_mosaic.version = 14 : i64} {
  func.func @_tc_combine_body(%arg0: i32, %arg1: i32, %arg2: memref<1x256x24xi32, #tpu.memory_space<vmem>>, %arg3: memref<1x256x24xf32, #tpu.memory_space<vmem>>, %arg4: memref<1x256x24xf32, #tpu.memory_space<vmem>>, %arg5: memref<1x256x24xf32, #tpu.memory_space<vmem>>, %arg6: memref<1x256x2xf32, #tpu.memory_space<vmem>>, %arg7: memref<1x256x24xf32, #tpu.memory_space<vmem>>, %arg8: memref<1x256x3xf32, #tpu.memory_space<vmem>>, %arg9: memref<1x256x1xf32, #tpu.memory_space<vmem>>, %arg10: memref<1x256x1xf32, #tpu.memory_space<vmem>>, %arg11: memref<1x256x1xf32, #tpu.memory_space<vmem>>) attributes {dimension_semantics = [#tpu.dimension_semantics<parallel>, #tpu.dimension_semantics<parallel>], iteration_bounds = array<i64: 2, 16>, scalar_prefetch = 0 : i64, scratch_operands = 0 : i64, tpu.core_type = #tpu.core_type<tc>, window_params = [{transform_indices = @transform_0, window_bounds = array<i64: 1, 256, 24>}, {transform_indices = @transform_1, window_bounds = array<i64: 1, 256, 24>}, {transform_indices = @transform_2, window_bounds = array<i64: 1, 256, 24>}, {transform_indices = @transform_3, window_bounds = array<i64: 1, 256, 24>}, {transform_indices = @transform_4, window_bounds = array<i64: 1, 256, 2>}, {transform_indices = @transform_5, window_bounds = array<i64: 1, 256, 24>}, {transform_indices = @transform_6, window_bounds = array<i64: 1, 256, 3>}, {transform_indices = @transform_7, window_bounds = array<i64: 1, 256, 1>}, {transform_indices = @transform_8, window_bounds = array<i64: 1, 256, 1>}, {transform_indices = @transform_9, window_bounds = array<i64: 1, 256, 1>}]} {
    %get3A = arith.constant 0 : index
    %get3A_0 = arith.constant 0 : index
    %get3A_1 = arith.constant 0 : index
    %get3A_2 = vector.load %arg2[%get3A, %get3A_0, %get3A_1] : memref<1x256x24xi32, #tpu.memory_space<vmem>>, vector<1x256x24xi32>
    %get3A_3 = vector.shape_cast %get3A_2 : vector<1x256x24xi32> to vector<256x24xi32>
    %get3A_4 = arith.constant 0 : index
    %get3A_5 = arith.constant 0 : index
    %get3A_6 = arith.constant 0 : index
    %get3A_7 = vector.load %arg3[%get3A_4, %get3A_5, %get3A_6] : memref<1x256x24xf32, #tpu.memory_space<vmem>>, vector<1x256x24xf32>
    %get3A_8 = vector.shape_cast %get3A_7 : vector<1x256x24xf32> to vector<256x24xf32>
    %get3A_9 = arith.constant 0 : index
    %get3A_10 = arith.constant 0 : index
    %get3A_11 = arith.constant 0 : index
    %get3A_12 = vector.load %arg4[%get3A_9, %get3A_10, %get3A_11] : memref<1x256x24xf32, #tpu.memory_space<vmem>>, vector<1x256x24xf32>
    %get3A_13 = vector.shape_cast %get3A_12 : vector<1x256x24xf32> to vector<256x24xf32>
    %div3A = arith.constant 7.000000e-02 : f32
    %div3A_14 = vector.broadcast %div3A : f32 to vector<256x24xf32>
    %div3A_15 = arith.divf %get3A_13, %div3A_14 : vector<256x24xf32>
    %div3A_16 = arith.constant 2.025000e-01 : f32
    %div3A_17 = vector.broadcast %div3A_16 : f32 to vector<256x24xf32>
    %div3A_18 = arith.divf %get3A_8, %div3A_17 : vector<256x24xf32>
    %sub3A = arith.subf %div3A_15, %div3A_18 : vector<256x24xf32>
    %get3A_19 = arith.constant 0 : index
    %get3A_20 = arith.constant 0 : index
    %get3A_21 = arith.constant 0 : index
    %get3A_22 = vector.load %arg5[%get3A_19, %get3A_20, %get3A_21] : memref<1x256x24xf32, #tpu.memory_space<vmem>>, vector<1x256x24xf32>
    %get3A_23 = vector.shape_cast %get3A_22 : vector<1x256x24xf32> to vector<256x24xf32>
    %get3A_24 = arith.constant 0 : index
    %get3A_25 = arith.constant 0 : index
    %get3A_26 = arith.constant 0 : index
    %get3A_27 = vector.load %arg6[%get3A_24, %get3A_25, %get3A_26] : memref<1x256x2xf32, #tpu.memory_space<vmem>>, vector<1x256x2xf32>
    %get3A_28 = vector.shape_cast %get3A_27 : vector<1x256x2xf32> to vector<256x2xf32>
    %slice3A = vector.extract_strided_slice %get3A_28 {offsets = [0, 0], sizes = [256, 1], strides = [1, 1]} : vector<256x2xf32> to vector<256x1xf32>
    %slice3A_29 = vector.extract_strided_slice %get3A_28 {offsets = [0, 1], sizes = [256, 1], strides = [1, 1]} : vector<256x2xf32> to vector<256x1xf32>
    %sub3A_30 = arith.subf %slice3A, %slice3A_29 : vector<256x1xf32>
    %logistic3A = arith.negf %sub3A_30 : vector<256x1xf32>
    %logistic3A_31 = math.exp %logistic3A : vector<256x1xf32>
    %logistic3A_32 = arith.constant 1.000000e+00 : f32
    %logistic3A_33 = vector.broadcast %logistic3A_32 : f32 to vector<256x1xf32>
    %logistic3A_34 = arith.addf %logistic3A_33, %logistic3A_31 : vector<256x1xf32>
    %logistic3A_35 = arith.divf %logistic3A_33, %logistic3A_34 : vector<256x1xf32>
    %reduce_max3A = arith.constant dense<0xFF800000> : vector<256xf32>
    %reduce_max3A_36 = vector.multi_reduction <maximumf>, %sub3A, %reduce_max3A [1] : vector<256x24xf32> to vector<256xf32>
    %broadcast_in_dim3A = vector.shape_cast %reduce_max3A_36 : vector<256xf32> to vector<256x1xf32>
    %sub3A_37 = vector.broadcast %broadcast_in_dim3A : vector<256x1xf32> to vector<256x24xf32>
    %sub3A_38 = arith.subf %sub3A, %sub3A_37 : vector<256x24xf32>
    %exp3A = math.exp %sub3A_38 : vector<256x24xf32>
    %reduce_sum3A = arith.constant dense<0.000000e+00> : vector<256xf32>
    %reduce_sum3A_39 = vector.multi_reduction <add>, %exp3A, %reduce_sum3A [1] : vector<256x24xf32> to vector<256xf32>
    %broadcast_in_dim3A_40 = vector.shape_cast %reduce_sum3A_39 : vector<256xf32> to vector<256x1xf32>
    %div3A_41 = vector.broadcast %broadcast_in_dim3A_40 : vector<256x1xf32> to vector<256x24xf32>
    %div3A_42 = arith.divf %exp3A, %div3A_41 : vector<256x24xf32>
    %swap3A = arith.constant 0 : index
    %swap3A_43 = arith.constant 0 : index
    %swap3A_44 = arith.constant 0 : index
    %swap3A_45 = vector.load %arg7[%swap3A, %swap3A_43, %swap3A_44] : memref<1x256x24xf32, #tpu.memory_space<vmem>>, vector<1x256x24xf32>
    %swap3A_46 = vector.shape_cast %swap3A_45 : vector<1x256x24xf32> to vector<256x24xf32>
    %swap3A_47 = vector.shape_cast %div3A_42 : vector<256x24xf32> to vector<1x256x24xf32>
    tpu.vector_store %arg7[%swap3A, %swap3A_43, %swap3A_44], %swap3A_47 {strides = array<i32>} : memref<1x256x24xf32, #tpu.memory_space<vmem>>, vector<1x256x24xf32>,
    %jit3A = arith.constant 256 : i32
    %div3A_48 = vector.broadcast %jit3A : i32 to vector<256x24xi32>
    %div3A_49 = arith.divsi %get3A_3, %div3A_48 : vector<256x24xi32>
    %sign3A = arith.constant 0 : i32
    %sign3A_50 = vector.broadcast %sign3A : i32 to vector<256x24xi32>
    %sign3A_51 = arith.cmpi sgt, %get3A_3, %sign3A_50 : vector<256x24xi32>
    %sign3A_52 = arith.extui %sign3A_51 : vector<256x24xi1> to vector<256x24xi32>
    %sign3A_53 = arith.constant 0 : i32
    %sign3A_54 = vector.broadcast %sign3A_53 : i32 to vector<256x24xi32>
    %sign3A_55 = arith.cmpi slt, %get3A_3, %sign3A_54 : vector<256x24xi32>
    %sign3A_56 = arith.extui %sign3A_55 : vector<256x24xi1> to vector<256x24xi32>
    %sign3A_57 = arith.subi %sign3A_52, %sign3A_56 : vector<256x24xi32>
    %sign3A_58 = arith.constant 0 : i32
    %sign3A_59 = arith.cmpi sgt, %jit3A, %sign3A_58 : i32
    %sign3A_60 = arith.extui %sign3A_59 : i1 to i32
    %sign3A_61 = arith.constant 0 : i32
    %sign3A_62 = arith.cmpi slt, %jit3A, %sign3A_61 : i32
    %sign3A_63 = arith.extui %sign3A_62 : i1 to i32
    %sign3A_64 = arith.subi %sign3A_60, %sign3A_63 : i32
    %ne3A = vector.broadcast %sign3A_64 : i32 to vector<256x24xi32>
    %ne3A_65 = arith.cmpi ne, %sign3A_57, %ne3A : vector<256x24xi32>
    %rem3A = vector.broadcast %jit3A : i32 to vector<256x24xi32>
    %rem3A_66 = arith.remsi %get3A_3, %rem3A : vector<256x24xi32>
    %ne3A_67 = arith.constant 0 : i32
    %ne3A_68 = vector.broadcast %ne3A_67 : i32 to vector<256x24xi32>
    %ne3A_69 = arith.cmpi ne, %rem3A_66, %ne3A_68 : vector<256x24xi32>
    %and3A = arith.andi %ne3A_65, %ne3A_69 : vector<256x24xi1>
    %sub3A_70 = arith.constant 1 : i32
    %sub3A_71 = vector.broadcast %sub3A_70 : i32 to vector<256x24xi32>
    %sub3A_72 = arith.subi %div3A_49, %sub3A_71 : vector<256x24xi32>
    %select_n3A = arith.select %and3A, %sub3A_72, %div3A_49 : vector<256x24xi1>, vector<256x24xi32>
    %convert_element_type3A = arith.sitofp %select_n3A : vector<256x24xi32> to vector<256x24xf32>
    %jit3A_73 = arith.constant 16 : i32
    %div3A_74 = vector.broadcast %jit3A_73 : i32 to vector<256x24xi32>
    %div3A_75 = arith.divsi %get3A_3, %div3A_74 : vector<256x24xi32>
    %sign3A_76 = arith.constant 0 : i32
    %sign3A_77 = vector.broadcast %sign3A_76 : i32 to vector<256x24xi32>
    %sign3A_78 = arith.cmpi sgt, %get3A_3, %sign3A_77 : vector<256x24xi32>
    %sign3A_79 = arith.extui %sign3A_78 : vector<256x24xi1> to vector<256x24xi32>
    %sign3A_80 = arith.constant 0 : i32
    %sign3A_81 = vector.broadcast %sign3A_80 : i32 to vector<256x24xi32>
    %sign3A_82 = arith.cmpi slt, %get3A_3, %sign3A_81 : vector<256x24xi32>
    %sign3A_83 = arith.extui %sign3A_82 : vector<256x24xi1> to vector<256x24xi32>
    %sign3A_84 = arith.subi %sign3A_79, %sign3A_83 : vector<256x24xi32>
    %sign3A_85 = arith.constant 0 : i32
    %sign3A_86 = arith.cmpi sgt, %jit3A_73, %sign3A_85 : i32
    %sign3A_87 = arith.extui %sign3A_86 : i1 to i32
    %sign3A_88 = arith.constant 0 : i32
    %sign3A_89 = arith.cmpi slt, %jit3A_73, %sign3A_88 : i32
    %sign3A_90 = arith.extui %sign3A_89 : i1 to i32
    %sign3A_91 = arith.subi %sign3A_87, %sign3A_90 : i32
    %ne3A_92 = vector.broadcast %sign3A_91 : i32 to vector<256x24xi32>
    %ne3A_93 = arith.cmpi ne, %sign3A_84, %ne3A_92 : vector<256x24xi32>
    %rem3A_94 = vector.broadcast %jit3A_73 : i32 to vector<256x24xi32>
    %rem3A_95 = arith.remsi %get3A_3, %rem3A_94 : vector<256x24xi32>
    %ne3A_96 = arith.constant 0 : i32
    %ne3A_97 = vector.broadcast %ne3A_96 : i32 to vector<256x24xi32>
    %ne3A_98 = arith.cmpi ne, %rem3A_95, %ne3A_97 : vector<256x24xi32>
    %and3A_99 = arith.andi %ne3A_93, %ne3A_98 : vector<256x24xi1>
    %sub3A_100 = arith.constant 1 : i32
    %sub3A_101 = vector.broadcast %sub3A_100 : i32 to vector<256x24xi32>
    %sub3A_102 = arith.subi %div3A_75, %sub3A_101 : vector<256x24xi32>
    %select_n3A_103 = arith.select %and3A_99, %sub3A_102, %div3A_75 : vector<256x24xi1>, vector<256x24xi32>
    %jit3A_104 = arith.constant 16 : i32
    %eq3A = arith.constant 0 : i32
    %eq3A_105 = arith.cmpi eq, %jit3A_104, %eq3A : i32
    %jit3A_106 = arith.constant 1 : i32
    %select_n3A_107 = arith.select %eq3A_105, %jit3A_106, %jit3A_104 : i32
    %rem3A_108 = vector.broadcast %select_n3A_107 : i32 to vector<256x24xi32>
    %rem3A_109 = arith.remsi %select_n3A_103, %rem3A_108 : vector<256x24xi32>
    %ne3A_110 = arith.constant 0 : i32
    %ne3A_111 = vector.broadcast %ne3A_110 : i32 to vector<256x24xi32>
    %ne3A_112 = arith.cmpi ne, %rem3A_109, %ne3A_111 : vector<256x24xi32>
    %lt3A = arith.constant 0 : i32
    %lt3A_113 = vector.broadcast %lt3A : i32 to vector<256x24xi32>
    %lt3A_114 = arith.cmpi slt, %rem3A_109, %lt3A_113 : vector<256x24xi32>
    %lt3A_115 = arith.constant 0 : i32
    %lt3A_116 = arith.cmpi slt, %select_n3A_107, %lt3A_115 : i32
    %ne3A_117 = vector.broadcast %lt3A_116 : i1 to vector<256x24xi1>
    %ne3A_118 = vector.broadcast %ne3A_117 : vector<256x24xi1> to vector<256x24xi1>
    %ne3A_119 = arith.xori %lt3A_114, %ne3A_118 : vector<256x24xi1>
    %and3A_120 = arith.andi %ne3A_119, %ne3A_112 : vector<256x24xi1>
    %add3A = vector.broadcast %select_n3A_107 : i32 to vector<256x24xi32>
    %add3A_121 = arith.addi %rem3A_109, %add3A : vector<256x24xi32>
    %select_n3A_122 = arith.select %and3A_120, %add3A_121, %rem3A_109 : vector<256x24xi1>, vector<256x24xi32>
    %convert_element_type3A_123 = arith.sitofp %select_n3A_122 : vector<256x24xi32> to vector<256x24xf32>
    %jit3A_124 = arith.constant 16 : i32
    %eq3A_125 = arith.constant 0 : i32
    %eq3A_126 = arith.cmpi eq, %jit3A_124, %eq3A_125 : i32
    %jit3A_127 = arith.constant 1 : i32
    %select_n3A_128 = arith.select %eq3A_126, %jit3A_127, %jit3A_124 : i32
    %rem3A_129 = vector.broadcast %select_n3A_128 : i32 to vector<256x24xi32>
    %rem3A_130 = arith.remsi %get3A_3, %rem3A_129 : vector<256x24xi32>
    %ne3A_131 = arith.constant 0 : i32
    %ne3A_132 = vector.broadcast %ne3A_131 : i32 to vector<256x24xi32>
    %ne3A_133 = arith.cmpi ne, %rem3A_130, %ne3A_132 : vector<256x24xi32>
    %lt3A_134 = arith.constant 0 : i32
    %lt3A_135 = vector.broadcast %lt3A_134 : i32 to vector<256x24xi32>
    %lt3A_136 = arith.cmpi slt, %rem3A_130, %lt3A_135 : vector<256x24xi32>
    %lt3A_137 = arith.constant 0 : i32
    %lt3A_138 = arith.cmpi slt, %select_n3A_128, %lt3A_137 : i32
    %ne3A_139 = vector.broadcast %lt3A_138 : i1 to vector<256x24xi1>
    %ne3A_140 = vector.broadcast %ne3A_139 : vector<256x24xi1> to vector<256x24xi1>
    %ne3A_141 = arith.xori %lt3A_136, %ne3A_140 : vector<256x24xi1>
    %and3A_142 = arith.andi %ne3A_141, %ne3A_133 : vector<256x24xi1>
    %add3A_143 = vector.broadcast %select_n3A_128 : i32 to vector<256x24xi32>
    %add3A_144 = arith.addi %rem3A_130, %add3A_143 : vector<256x24xi32>
    %select_n3A_145 = arith.select %and3A_142, %add3A_144, %rem3A_130 : vector<256x24xi1>, vector<256x24xi32>
    %convert_element_type3A_146 = arith.sitofp %select_n3A_145 : vector<256x24xi32> to vector<256x24xf32>
    %mul3A = arith.mulf %div3A_42, %convert_element_type3A : vector<256x24xf32>
    %reduce_sum3A_147 = arith.constant dense<0.000000e+00> : vector<256xf32>
    %reduce_sum3A_148 = vector.multi_reduction <add>, %mul3A, %reduce_sum3A_147 [1] : vector<256x24xf32> to vector<256xf32>
    %broadcast_in_dim3A_149 = vector.shape_cast %reduce_sum3A_148 : vector<256xf32> to vector<256x1xf32>
    %mul3A_150 = arith.mulf %div3A_42, %convert_element_type3A_123 : vector<256x24xf32>
    %reduce_sum3A_151 = arith.constant dense<0.000000e+00> : vector<256xf32>
    %reduce_sum3A_152 = vector.multi_reduction <add>, %mul3A_150, %reduce_sum3A_151 [1] : vector<256x24xf32> to vector<256xf32>
    %broadcast_in_dim3A_153 = vector.shape_cast %reduce_sum3A_152 : vector<256xf32> to vector<256x1xf32>
    %mul3A_154 = arith.mulf %div3A_42, %convert_element_type3A_146 : vector<256x24xf32>
    %reduce_sum3A_155 = arith.constant dense<0.000000e+00> : vector<256xf32>
    %reduce_sum3A_156 = vector.multi_reduction <add>, %mul3A_154, %reduce_sum3A_155 [1] : vector<256x24xf32> to vector<256xf32>
    %broadcast_in_dim3A_157 = vector.shape_cast %reduce_sum3A_156 : vector<256xf32> to vector<256x1xf32>
    %concatenate3A = tpu.concatenate %broadcast_in_dim3A_149, %broadcast_in_dim3A_153, %broadcast_in_dim3A_157 in 1 : vector<256x1xf32>, vector<256x1xf32>, vector<256x1xf32> -> vector<256x3xf32>
    %swap3A_158 = arith.constant 0 : index
    %swap3A_159 = arith.constant 0 : index
    %swap3A_160 = arith.constant 0 : index
    %swap3A_161 = vector.load %arg8[%swap3A_158, %swap3A_159, %swap3A_160] : memref<1x256x3xf32, #tpu.memory_space<vmem>>, vector<1x256x3xf32>
    %swap3A_162 = vector.shape_cast %swap3A_161 : vector<1x256x3xf32> to vector<256x3xf32>
    %swap3A_163 = vector.shape_cast %concatenate3A : vector<256x3xf32> to vector<1x256x3xf32>
    tpu.vector_store %arg8[%swap3A_158, %swap3A_159, %swap3A_160], %swap3A_163 {strides = array<i32>} : memref<1x256x3xf32, #tpu.memory_space<vmem>>, vector<1x256x3xf32>,
    %reduce_max3A_164 = arith.constant dense<0xFF800000> : vector<256xf32>
    %reduce_max3A_165 = vector.multi_reduction <maximumf>, %div3A_42, %reduce_max3A_164 [1] : vector<256x24xf32> to vector<256xf32>
    %broadcast_in_dim3A_166 = vector.shape_cast %reduce_max3A_165 : vector<256xf32> to vector<256x1xf32>
    %iota3A = tpu.iota {dimensions = array<i32: 1>} : vector<256x24xi32>
    %eq3A_167 = vector.broadcast %broadcast_in_dim3A_166 : vector<256x1xf32> to vector<256x24xf32>
    %eq3A_168 = arith.cmpf oeq, %div3A_42, %eq3A_167 : vector<256x24xf32>
    %jit3A_169 = arith.constant 24 : i32
    %broadcast_in_dim3A_170 = vector.broadcast %jit3A_169 : i32 to vector<256x24xi32>
    %select_n3A_171 = arith.select %eq3A_168, %iota3A, %broadcast_in_dim3A_170 : vector<256x24xi1>, vector<256x24xi32>
    %reduce_min3A = arith.constant dense<2147483647> : vector<256xi32>
    %reduce_min3A_172 = vector.multi_reduction <minsi>, %select_n3A_171, %reduce_min3A [1] : vector<256x24xi32> to vector<256xi32>
    %broadcast_in_dim3A_173 = vector.shape_cast %reduce_min3A_172 : vector<256xi32> to vector<256x1xi32>
    %eq3A_174 = vector.broadcast %broadcast_in_dim3A_173 : vector<256x1xi32> to vector<256x24xi32>
    %eq3A_175 = arith.cmpi eq, %iota3A, %eq3A_174 : vector<256x24xi32>
    %jit3A_176 = arith.constant 0xFF800000 : f32
    %broadcast_in_dim3A_177 = vector.broadcast %jit3A_176 : f32 to vector<256x24xf32>
    %select_n3A_178 = arith.select %eq3A_175, %broadcast_in_dim3A_177, %div3A_42 : vector<256x24xi1>, vector<256x24xf32>
    %reduce_max3A_179 = arith.constant dense<0xFF800000> : vector<256xf32>
    %reduce_max3A_180 = vector.multi_reduction <maximumf>, %select_n3A_178, %reduce_max3A_179 [1] : vector<256x24xf32> to vector<256xf32>
    %broadcast_in_dim3A_181 = vector.shape_cast %reduce_max3A_180 : vector<256xf32> to vector<256x1xf32>
    %jit3A_182 = arith.constant 0.000000e+00 : f32
    %broadcast_in_dim3A_183 = vector.broadcast %jit3A_182 : f32 to vector<256x24xf32>
    %select_n3A_184 = arith.select %eq3A_175, %get3A_23, %broadcast_in_dim3A_183 : vector<256x24xi1>, vector<256x24xf32>
    %reduce_sum3A_185 = arith.constant dense<0.000000e+00> : vector<256xf32>
    %reduce_sum3A_186 = vector.multi_reduction <add>, %select_n3A_184, %reduce_sum3A_185 [1] : vector<256x24xf32> to vector<256xf32>
    %broadcast_in_dim3A_187 = vector.shape_cast %reduce_sum3A_186 : vector<256xf32> to vector<256x1xf32>
    %mul3A_188 = arith.mulf %logistic3A_35, %broadcast_in_dim3A_187 : vector<256x1xf32>
    %jit3A_189 = arith.constant 9.99999997E-7 : f32
    %max3A = vector.broadcast %jit3A_189 : f32 to vector<256x1xf32>
    %max3A_190 = arith.maximumf %max3A, %mul3A_188 : vector<256x1xf32>
    %sqrt3A = math.sqrt %max3A_190 : vector<256x1xf32>
    %mul3A_191 = arith.mulf %broadcast_in_dim3A_166, %sqrt3A : vector<256x1xf32>
    %swap3A_192 = arith.constant 0 : index
    %swap3A_193 = arith.constant 0 : index
    %swap3A_194 = arith.constant 0 : index
    %swap3A_195 = vector.load %arg9[%swap3A_192, %swap3A_193, %swap3A_194] : memref<1x256x1xf32, #tpu.memory_space<vmem>>, vector<1x256x1xf32>
    %swap3A_196 = vector.shape_cast %swap3A_195 : vector<1x256x1xf32> to vector<256x1xf32>
    %swap3A_197 = vector.shape_cast %mul3A_191 : vector<256x1xf32> to vector<1x256x1xf32>
    tpu.vector_store %arg9[%swap3A_192, %swap3A_193, %swap3A_194], %swap3A_197 {strides = array<i32>} : memref<1x256x1xf32, #tpu.memory_space<vmem>>, vector<1x256x1xf32>,
    %sub3A_198 = arith.subf %broadcast_in_dim3A_166, %broadcast_in_dim3A_181 : vector<256x1xf32>
    %swap3A_199 = arith.constant 0 : index
    %swap3A_200 = arith.constant 0 : index
    %swap3A_201 = arith.constant 0 : index
    %swap3A_202 = vector.load %arg10[%swap3A_199, %swap3A_200, %swap3A_201] : memref<1x256x1xf32, #tpu.memory_space<vmem>>, vector<1x256x1xf32>
    %swap3A_203 = vector.shape_cast %swap3A_202 : vector<1x256x1xf32> to vector<256x1xf32>
    %swap3A_204 = vector.shape_cast %sub3A_198 : vector<256x1xf32> to vector<1x256x1xf32>
    tpu.vector_store %arg10[%swap3A_199, %swap3A_200, %swap3A_201], %swap3A_204 {strides = array<i32>} : memref<1x256x1xf32, #tpu.memory_space<vmem>>, vector<1x256x1xf32>,
    %jit3A_205 = arith.constant 9.99999996E-13 : f32
    %max3A_206 = vector.broadcast %jit3A_205 : f32 to vector<256x24xf32>
    %max3A_207 = arith.maximumf %max3A_206, %div3A_42 : vector<256x24xf32>
    %log3A = math.log %max3A_207 : vector<256x24xf32>
    %mul3A_208 = arith.mulf %div3A_42, %log3A : vector<256x24xf32>
    %reduce_sum3A_209 = arith.constant dense<0.000000e+00> : vector<256xf32>
    %reduce_sum3A_210 = vector.multi_reduction <add>, %mul3A_208, %reduce_sum3A_209 [1] : vector<256x24xf32> to vector<256xf32>
    %broadcast_in_dim3A_211 = vector.shape_cast %reduce_sum3A_210 : vector<256xf32> to vector<256x1xf32>
    %neg3A = arith.constant 0.000000e+00 : f32
    %neg3A_212 = vector.broadcast %neg3A : f32 to vector<256x1xf32>
    %neg3A_213 = arith.subf %neg3A_212, %broadcast_in_dim3A_211 : vector<256x1xf32>
    %swap3A_214 = arith.constant 0 : index
    %swap3A_215 = arith.constant 0 : index
    %swap3A_216 = arith.constant 0 : index
    %swap3A_217 = vector.load %arg11[%swap3A_214, %swap3A_215, %swap3A_216] : memref<1x256x1xf32, #tpu.memory_space<vmem>>, vector<1x256x1xf32>
    %swap3A_218 = vector.shape_cast %swap3A_217 : vector<1x256x1xf32> to vector<256x1xf32>
    %swap3A_219 = vector.shape_cast %neg3A_213 : vector<256x1xf32> to vector<1x256x1xf32>
    tpu.vector_store %arg11[%swap3A_214, %swap3A_215, %swap3A_216], %swap3A_219 {strides = array<i32>} : memref<1x256x1xf32, #tpu.memory_space<vmem>>, vector<1x256x1xf32>,
    return
  }
  func.func @transform_0(%arg0: i32, %arg1: i32) -> (i32, i32, i32) {
    %c0_i32 = arith.constant 0 : i32
    %c0_i32_0 = arith.constant 0 : i32
    return %arg0, %arg1, %c0_i32 : i32, i32, i32
  }
  func.func @transform_1(%arg0: i32, %arg1: i32) -> (i32, i32, i32) {
    %c0_i32 = arith.constant 0 : i32
    %c0_i32_0 = arith.constant 0 : i32
    return %arg0, %arg1, %c0_i32 : i32, i32, i32
  }
  func.func @transform_2(%arg0: i32, %arg1: i32) -> (i32, i32, i32) {
    %c0_i32 = arith.constant 0 : i32
    %c0_i32_0 = arith.constant 0 : i32
    return %arg0, %arg1, %c0_i32 : i32, i32, i32
  }
  func.func @transform_3(%arg0: i32, %arg1: i32) -> (i32, i32, i32) {
    %c0_i32 = arith.constant 0 : i32
    %c0_i32_0 = arith.constant 0 : i32
    return %arg0, %arg1, %c0_i32 : i32, i32, i32
  }
  func.func @transform_4(%arg0: i32, %arg1: i32) -> (i32, i32, i32) {
    %c0_i32 = arith.constant 0 : i32
    %c0_i32_0 = arith.constant 0 : i32
    return %arg0, %arg1, %c0_i32 : i32, i32, i32
  }
  func.func @transform_5(%arg0: i32, %arg1: i32) -> (i32, i32, i32) {
    %c0_i32 = arith.constant 0 : i32
    %c0_i32_0 = arith.constant 0 : i32
    return %arg0, %arg1, %c0_i32 : i32, i32, i32
  }
  func.func @transform_6(%arg0: i32, %arg1: i32) -> (i32, i32, i32) {
    %c0_i32 = arith.constant 0 : i32
    %c0_i32_0 = arith.constant 0 : i32
    return %arg0, %arg1, %c0_i32 : i32, i32, i32
  }
  func.func @transform_7(%arg0: i32, %arg1: i32) -> (i32, i32, i32) {
    %c0_i32 = arith.constant 0 : i32
    %c0_i32_0 = arith.constant 0 : i32
    return %arg0, %arg1, %c0_i32 : i32, i32, i32
  }
  func.func @transform_8(%arg0: i32, %arg1: i32) -> (i32, i32, i32) {
    %c0_i32 = arith.constant 0 : i32
    %c0_i32_0 = arith.constant 0 : i32
    return %arg0, %arg1, %c0_i32 : i32, i32, i32
  }
  func.func @transform_9(%arg0: i32, %arg1: i32) -> (i32, i32, i32) {
    %c0_i32 = arith.constant 0 : i32
    %c0_i32_0 = arith.constant 0 : i32
    return %arg0, %arg1, %c0_i32 : i32, i32, i32
  }
}

</mosaic_0001>

<sc_bundles>
// kernel: kernel.5.cloned.1.call-start
scs
__scs_entry_jumppad:
0x0: {  	(pc) =	sbr.rel $0x88, $3  }
0x1: {  	(tag) =	ssettag $0x0;
	lr =	simm.s32 $0x1  }
0x2: {  	[smem:$0x3F9B] =	sst lr;
	_ =	strace $0xD0000000  }
0x3: {  	_ = 	snop  }
0x4: {  	_ = 	snop  }
0x5: {  	_ = 	snop  }
0x6: {  	_ = 	snop  }
0x7: {  	_ = 	snop  }
__scs_overlays_trampoline_lowered:
0x8: {  	[smem:$0x3FAA] =	sst s0  }
0x9: {  	[smem:$0x3FAB] =	sst s1  }
0xa: {  	[smem:$0x3FAC] =	sst s2  }
0xb: {  	[smem:$0x3FAD] =	sst s3  }
0xc: {  	[smem:$0x3FAE] =	sst s4  }
0xd: {  	[smem:$0x3FAF] =	sst s5  }
0xe: {  	[smem:$0x3FB0] =	sst s6  }
0xf: {  	[smem:$0x3FB1] =	sst s7  }
0x10: {  	[smem:$0x3FB2] =	sst s8  }
0x11: {  	[smem:$0x3FB3] =	sst s9;
	s0 =	simm.s32 @!p0 $0x0  }
0x12: {  	s1 =	sld [smem:$0x3F99];
	s0 =	simm.s32 @p0 $0x1  }
0x13: {  	[smem:$0x3FB4] =	sst s0;
	s0 =	simm.s32 @!p1 $0x0  }
0x14: {  	s2 =	sld [smem:$0x3F98];
	s0 =	simm.s32 @p1 $0x1  }
0x15: {  	[smem:$0x3FB5] =	sst s0;
	s0 =	simm.s32 @!p2 $0x0  }
0x16: {  	s3 =	sld [smem:$0x3FDB];
	s0 =	simm.s32 @p2 $0x1  }
0x17: {  	s4 =	simm.s32 $0x1BF5;
	[smem:$0x3FB7] =	sst s0  }
0x18: {  	s0 =	sld [smem:$0x3F9A];
	_ =	swait.ge [sflag:s4], $0x0  }
0x19: {  	s7 =	sld [smem:$0x3F9B]  }
0x1a: {  	s8 =	sadd.s32 $0xFFFFE003, lr  }
0x1b: {  	s9 =	sadd.s32 $0xFFFFFEF7, lr;
	s5 =	simm.s32 $0xFFFFFFFF;
	p2 =	slt.u32 s8, $0xFFFFF086  }
0x1c: {  	p1 =	slt.u32 s9, $0xF7A;
	s5 =	simm.s32 @!p2 $0x0  }
0x1d: {  	s5 =	simm.s32 @p1 $0x1;
	p0 =	seq.s32 s7, s2  }
0x1e: {  	s7 =	smul.u32 @!p0 $0xF7A, s2;
	p2 =	seq.s32 @!p0 s5, $0x0  }
0x1f: {  	s9 =	smul.u32 $0xF7A, s1;
	s8 =	simm.s32 @!p0 $0x1BF5;
	p2 =	por !p2, p0  }
0x20: {  	[sflag:s8] =	ssyncset.s32 @!p0 $0xFFFFF086;
	s6 =	sadd.s32 @!p0 s3, s7;
	s7 =	simm.s32 @!p0 $0x108  }
0x21: {  	s3 =	sadd.s32 s3, s9;
	s6 =	sadd.s32 @!p0 $0x88, s6;
	s7 =	simm.s32 @p2 $0x1082  }
0x22: {  	[simem:s7], [sflag:s8] =	dma.local @!p0 [hbm:s6], $0xF7A  }
0x23: {  	s9 =	sor.u32 $0xD0000000, s2;
	s6 =	simm.s32 $0x108;
	_ =	swait.ge @!p0 [sflag:s8], $0x0  }
0x24: {  	s3 =	sadd.s32 $0x88, s3;
	s6 =	simm.s32 @!p1 $0x1082;
	[sflag:s4] =	ssyncset.s32 $0xFFFFF086  }
0x25: {  	[simem:s6], [sflag:s4] =	dma.local [hbm:s3], $0xF7A  }
0x26: {  	[smem:$0x3F9B] =	sst s1;
	(tag) =	ssettag s2;
	_ =	strace s9  }
0x27: {  	s1 =	sld [smem:$0x3FAB]  }
0x28: {  	s2 =	sld [smem:$0x3FAC]  }
0x29: {  	s4 =	sld [smem:$0x3FAE]  }
0x2a: {  	p0 =	seq.s32 s5, $0x0;
	s5 =	sld [smem:$0x3FAF]  }
0x2b: {  	s6 =	sld [smem:$0x3FB0]  }
0x2c: {  	s7 =	sld [smem:$0x3FB1]  }
0x2d: {  	s3 =	simm.s32 $0x108;
	s8 =	sld [smem:$0x3FB2]  }
0x2e: {  	s3 =	simm.s32 @!p0 $0x1082;
	s9 =	sld [smem:$0x3FB3]  }
0x2f: {  	lr =	sadd.s32 s0, s3;
	s0 =	sld [smem:$0x3FAA]  }
0x30: {  	s3 =	sld [smem:$0x3FAD]  }
0x31: {  	[smem:$0x3FB6] =	sst s10  }
0x32: {  	s10 =	sld [smem:$0x3FB4];
	_ =	sdelay $0x3  }
0x33: {  	p0 =	seq.s32 s10, $0x1;
	s10 =	sld [smem:$0x3FB6];
	_ =	sdelay $0x3  }
0x34: {  	[smem:$0x3FB6] =	sst s10  }
0x35: {  	s10 =	sld [smem:$0x3FB5];
	_ =	sdelay $0x3  }
0x36: {  	p1 =	seq.s32 s10, $0x1;
	s10 =	sld [smem:$0x3FB6];
	_ =	sdelay $0x3  }
0x37: {  	[smem:$0x3FB6] =	sst s10  }
0x38: {  	s10 =	sld [smem:$0x3FB7]  }
0x39: {  	_ = 	snop;
	(pc) =	sbr.ind lr, $3  }
0x3a: {  	_ = 	snop  }
0x3b: {  	_ = 	snop  }
0x3c: {  	p2 =	seq.s32 s10, $0x1;
	s10 =	sld [smem:$0x3FB6]  }
0x3d: {  	_ =	shalt  }
0x3e: {  	_ =	shalt  }
0x3f: {  	_ =	shalt  }
0x40: {  	_ =	shalt  }
0x41: {  	_ =	shalt  }
0x42: {  	_ =	shalt  }
0x43: {  	_ =	shalt  }
0x44: {  	_ =	shalt  }
0x45: {  	_ =	shalt  }
0x46: {  	_ =	shalt  }
0x47: {  	_ =	shalt  }
0x48: {  	_ =	shalt  }
0x49: {  	_ =	shalt  }
0x4a: {  	_ =	shalt  }
0x4b: {  	_ =	shalt  }
0x4c: {  	_ =	shalt  }
0x4d: {  	_ =	shalt  }
0x4e: {  	_ =	shalt  }
0x4f: {  	_ =	shalt  }
0x50: {  	_ =	shalt  }
0x51: {  	_ =	shalt  }
0x52: {  	_ =	shalt  }
0x53: {  	_ =	shalt  }
0x54: {  	_ =	shalt  }
0x55: {  	_ =	shalt  }
0x56: {  	_ =	shalt  }
0x57: {  	_ =	shalt  }
0x58: {  	_ =	shalt  }
0x59: {  	_ =	shalt  }
0x5a: {  	_ =	shalt  }
0x5b: {  	_ =	shalt  }
0x5c: {  	_ =	shalt  }
0x5d: {  	_ =	shalt  }
0x5e: {  	_ =	shalt  }
0x5f: {  	_ =	shalt  }
0x60: {  	_ =	shalt  }
0x61: {  	_ =	shalt  }
0x62: {  	_ =	shalt  }
0x63: {  	_ =	shalt  }
0x64: {  	_ =	shalt  }
0x65: {  	_ =	shalt  }
0x66: {  	_ =	shalt  }
0x67: {  	_ =	shalt  }
0x68: {  	_ =	shalt  }
0x69: {  	_ =	shalt  }
0x6a: {  	_ =	shalt  }
0x6b: {  	_ =	shalt  }
0x6c: {  	_ =	shalt  }
0x6d: {  	_ =	shalt  }
0x6e: {  	_ =	shalt  }
0x6f: {  	_ =	shalt  }
0x70: {  	_ =	shalt  }
0x71: {  	_ =	shalt  }
0x72: {  	_ =	shalt  }
0x73: {  	_ =	shalt  }
0x74: {  	_ =	shalt  }
0x75: {  	_ =	shalt  }
0x76: {  	_ =	shalt  }
0x77: {  	_ =	shalt  }
0x78: {  	_ =	shalt  }
0x79: {  	_ =	shalt  }
0x7a: {  	_ =	shalt  }
0x7b: {  	_ =	shalt  }
0x7c: {  	_ =	shalt  }
0x7d: {  	_ =	shalt  }
0x7e: {  	_ =	shalt  }
0x7f: {  	_ =	shalt  }
0x80: {  	_ =	shalt  }
0x81: {  	_ =	shalt  }
0x82: {  	_ =	shalt  }
0x83: {  	_ =	shalt  }
0x84: {  	_ =	shalt  }
0x85: {  	_ =	shalt  }
0x86: {  	_ =	shalt  }
0x87: {  	_ =	shalt  }
.Lfunc_end0:
.L_simem_size_0:
called_computation.1_lowered:
.L_overlay_start_0:
0x88: {  	s2 =	sld [smem:$0x3FD9]  }
0x89: {  	s3 =	sld [smem:$0x3FFE];
	_ =	sdelay $0x1  }
0x8a: {  	s1 =	srdreg.scid  }
0x8b: {  	s0 =	sand.u32 $0x1, s1  }
0x8c: {  	s14 =	sshll.u32 s0, $0xA;
	s2 =	sadd.s32 s3, s2  }
0x8d: {  	s2 =	sadd.s32 s2, s14  }
0x8e: {  	[smem:$0x3FC2] =	sst s2  }
0x8f: {  	_ = 	snop  }
0x90: {  	s2 =	sld [smem:$0x3FD0];
	_ =	sdelay $0x2  }
0x91: {  	s15 =	simm.s32 $0xA;
	s4 =	simm.s32 $0x10  }
0x92: {  	[smem:s4], [sflag:s15] =	dma.local [hbm:s2], $0x1  }
0x93: {  	_ =	swait.eq [sflag:s15], $0x1  }
0x94: {  	s16 =	sld [smem:$0x10];
	[sflag:s15] =	ssyncset.done $0x0  }
0x95: {  	s17 =	sld [smem:$0x11];
	[sflag:s15] =	ssyncadd.s32 $0xFFFFFFFF  }
0x96: {  	s18 =	sld [smem:$0x12];
	(tm) =	ssettm $0x1  }
0x97: {  	s5 =	sld [smem:$0x3FFB];
	_ =	sdelay $0x3  }
0x98: {  	_ =	strace s5  }
0x99: {  	s5 =	sld [smem:$0x3FFC];
	_ =	sdelay $0x3  }
0x9a: {  	_ =	strace s5  }
0x9b: {  	s5 =	sld [smem:$0x3FFD];
	_ =	sdelay $0x3  }
0x9c: {  	_ =	strace s5  }
0x9d: {  	_ =	strace $0x8FFFFFFF  }
0x9e: {  	s19 =	sld [smem:$0x3FDB];
	_ =	sdelay $0x1  }
0x9f: {  	s6 =	simm.s32 $_scs_section_size  }
0xa0: {  	s7 =	simm.s32 $_size__tile_overlayer_lowered;
	s8 =	simm.s32 $_tile_overlayer_lowered  }
0xa1: {  	s22 =	simm.s32 $0x1BFF;
	s21 =	sshll.u32 s8, $0x1;
	s5 =	sadd.s32 s6, s19  }
0xa2: {  	s9 =	simm.s32 $0x0;
	s20 =	sshll.u32 s7, $0x1;
	s7 =	sadd.s32 s21, s5  }
0xa3: {  	[timem:s9], [sflag:s22] =	dma.local [hbm:s7], s20  }
0xa4: {  	_ =	swait.ge [sflag:s22], s20  }
0xa5: {  	s6 =	ssub.s32 $0x0, s20;
	[sflag:s22] =	ssyncset.done $0x0  }
0xa6: {  	[sflag:s22] =	ssyncadd.s32 s6;
	_ =	sdelay $0x1  }
0xa7: {  	s23 =	simm.s32 $0x1B8B  }
0xa8: {  	_ =	swait.ge [sflag:s23], $0x1  }
0xa9: {  	[sflag:s23] =	ssyncset.done $0x0  }
0xaa: {  	s25 =	simm.s32 $0x1B8E;
	s24 =	sld [smem:$0x3FFE];
	[sflag:s23] =	ssyncadd.s32 $0xFFFFFFFF  }
0xab: {  	s26 =	simm.s32 $execute0_lowered;
	[smem:$0x3FD2] =	sst s25  }
0xac: {  	s7 =	sshll.u32 s26, $0x1;
	_ =	strace $0x80000049;
	[dreg:$0x1] =	wrdreg $0xFFFFFFFF  }
0xad: {  	s28 =	simm.s32 $_size_execute0_lowered;
	s5 =	sadd.s32 s5, s7;
	[dreg:$0x0] =	wrdreg $0x0  }
0xae: {  	s7 =	sshll.u32 s28, $0x1;
	[dreg:$0x2] =	wrdreg s5  }
0xaf: {  	[dreg:$0x3] =	wrdreg s7  }
0xb0: {  	[dreg:$0x4] =	wrdreg $0xC0  }
0xb1: {  	_ =	task [dreg:s9], $0x5FFFF  }
0xb2: {  	[dreg:$0x1] =	wrdreg $0xFFFFFFFF  }
0xb3: {  	[dreg:$0x0] =	wrdreg $0x60  }
0xb4: {  	[dreg:$0x2] =	wrdreg s18  }
0xb5: {  	[dreg:$0x3] =	wrdreg s17  }
0xb6: {  	[dreg:$0x4] =	wrdreg s24  }
0xb7: {  	[dreg:$0x5] =	wrdreg s16  }
0xb8: {  	[dreg:$0x6] =	wrdreg $0x9  }
0xb9: {  	_ =	task.clear_ibuf [dreg:s9], $0x7FFFF;
	_ =	strace $0x90000049  }
0xba: {  	s29 =	simm.s32 $0x9;
	_ =	strace $0x8000004B  }
0xbb: {  	_ =	swait.ge [sflag:s29], $0x1  }
0xbc: {  	[sflag:s29] =	ssyncadd.s32 $0xFFFFFFFF  }
0xbd: {  	_ =	strace $0x9000004B  }
0xbe: {  	_ =	sfence  }
0xbf: {  	s30 =	sld [smem:$0x0];
	_ =	sdelay $0x2  }
0xc0: {  	s31 =	sshll.u32 s1, $0xD;
	s1 =	sshrl.u32 s1, $0x2  }
0xc1: {  	s3 =	sand.u32 $0x4000, s31;
	s1 =	sadd.s32 s1, s30  }
0xc2: {  	s0 =	sor.u32 s3, s0;
	s1 =	sshll.u32 s1, $0x11  }
0xc3: {  	s0 =	sor.u32 s1, s0  }
0xc4: {  	s0 =	sadd.s32 $0x8F2B, s0  }
0xc5: {  	[sflag:s0] =	ssyncadd.remote.s32 $0x1  }
0xc6: {  	_ =	sfence.sel $0xFFFF  }
0xc7: {  	[dreg:$0x0] =	wrdreg $0xFFFFFFFF;
	(pc) =	sbr.abs _section_cstart, $3  }
0xc8: {  	[dreg:$0x1] =	wrdreg $0xFFFFFFFF  }
0xc9: {  	_ =	task.clear_ibuf [dreg:s9], $0x2FFFF;
	_ =	strace $0x9FFFFFFF  }
0xca: {  	(tm) =	ssettm $0x7FFFFFFF  }
0xcb: {  	_ =	shalt  }
tec
execute0_lowered:
.L_overlay_start_1:
0x0: {  	(tag) =	ssettag $0x1  }
0x1: {  	s5 =	rddreg [dreg:$0x0]  }
0x2: {  	s6 =	rddreg [dreg:$0x1]  }
0x3: {  	s7 =	rddreg [dreg:$0x2];
	s1 =	srdreg.scid  }
0x4: {  	s0 =	stileid.u32;
	s2 =	rddreg [dreg:$0x3]  }
0x5: {  	s3 =	simm.s32 $0x0;
	s12 =	simm.s32 $0x1800;
	s13 =	simm.s32 $0x3000  }
0x6: {  	s14 =	simm.s32 $0x80;
	s15 =	simm.s32 $0x1;
	s16 =	simm.s32 $0x9000  }
0x7: {  	s17 =	simm.s32 $0xC000;
	s4 =	sand.u32 $0x1, s1;
	s8 =	sshll.u32 s0, $0x1  }
0x8: {  	s18 =	simm.s32 $0x0;
	s1 =	rddreg [dreg:$0x4];
	s8 =	sor.u32 s4, s8  }
0x9: {  	[smem:$0x7FF] =	sst s3;
	s9 =	ssub.s32 $0x2, s4;
	s8 =	smul.u32 $0x300, s8  }
0xa: {  	_ =	strace $0x8000004A;
	s4 =	sadd.s32 $0x441200, s7;
	s31 =	sshrl.u32 s9, $0x1  }
0xb: {  	s11 =	ssub.s32 s9, s31;
	s10 =	sadd.s32 s8, s7;
	s5 =	sadd.s32 s5, s8  }
0xc: {  	s6 =	sadd.s32 s6, s8;
	s7 =	sadd.s32 $0x841200, s10;
	s8 =	sadd.s32 $0x1200, s10  }
0xd: {  	s9 =	sadd.s32 $0x7200, s10;
	s10 =	smax.u32 s11, $0x1;
	s11 =	simm.s32 $0x2  }
.LBB2_1:
0xe: {  	[tilespmem:s3], [sflag:$0x2] =	stream.linear.gather [hbm4b:s5+s3], $0x1800, $0x38;
	[tilespmem:$0xD800] =	vst v63  }
0xf: {  	_ =	swait.ge [sflag:s11], $0x1800  }
0x10: {  	[sflag:s11] =	ssyncset.done $0x0  }
0x11: {  	[sflag:s11] =	ssyncadd.s32 $0xFFFFE800  }
0x12: {  	[tilespmem:s12], [sflag:$0x2] =	stream.linear.gather [hbm4b:s6+s3], $0x1800, $0x38;
	[tilespmem:$0xD800] =	vst v63  }
0x13: {  	_ =	swait.ge [sflag:s11], $0x1800  }
0x14: {  	[sflag:s11] =	ssyncset.done $0x0  }
0x15: {  	[sflag:s11] =	ssyncadd.s32 $0xFFFFE800  }
0x16: {  	[tilespmem:s13], [sflag:$0x2] =	stream.linear.gather [hbm4b:s7+s3], $0x1800, $0x38;
	[tilespmem:$0xD800] =	vst v63  }
0x17: {  	_ =	swait.ge [sflag:s11], $0x1800  }
0x18: {  	[sflag:s11] =	ssyncset.done $0x0  }
0x19: {  	s19 =	simm.s32 $0x0;
	[sflag:s11] =	ssyncadd.s32 $0xFFFFE800  }
0x1a: {  	v0 =	vld [tilespmem:s19+$0x0]  }
0x1b: {  	v1 =	vld [tilespmem:s19+$0x3000]  }
0x1c: {  	v2 =	vld [tilespmem:s19+$0x1800]  }
0x1d: {  	s20 =	simm.s32 $0x40  }
.LBB2_2:
0x1e: {  	p0 =	sne.s32 s20, $0x5FC0  }
.Ltmp0:
0x1f: {  	s21 =	sshra.s32 s20, $0x2;
	v3 =	vmov v0;
	(pc) =	sbr.rel @p0 .LBB2_2-.Ltmp0, $4  }
0x20: {  	s20 =	sadd.s32 $0x40, s20;
	v0 =	vld [tilespmem:s21+$0x0];
	v4 =	vadd.s32 v3, v1  }
0x21: {  	v1 =	vld [tilespmem:s21+$0x3000];
	v3 =	vadd.s32 v3, v2;
	[tilespmem:s19+$0x6000] =	vst v4;
	v4 =	vadd.s32 $0x1000, v4  }
0x22: {  	v2 =	vld [tilespmem:s21+$0x1800];
	[tilespmem:s19+$0x7800] =	vst v4  }
0x23: {  	[tilespmem:s19+$0x4800] =	vst v3;
	s19 =	smov.u32 s21  }
0x24: {  	_ =	sdelay $0x1  }
0x25: {  	v1 =	vadd.s32 v0, v1  }
0x26: {  	[tilespmem:s19+$0x6000] =	vst v1;
	v1 =	vadd.s32 $0x1000, v1  }
0x27: {  	v63 =	vadd.s32 v0, v2;
	[tilespmem:s19+$0x7800] =	vst v1  }
0x28: {  	s26 =	simm.s32 $0x9000;
	s20 =	simm.s32 $0x4800;
	[tilespmem:s19+$0x4800] =	vst v63  }
0x29: {  	[tilespmem:s26], [sflag:$0x1] =	stream.indirect.gather [hbm4b:s4+s14], $0x1, s20, s14, $0xb8;
	[tilespmem:$0xD800] =	vst v63  }
0x2a: {  	_ =	swait.ge [sflag:s15], $0x80  }
0x2b: {  	[sflag:s15] =	ssyncset.done $0x0  }
0x2c: {  	s28 =	simm.s32 $0xA800;
	s29 =	simm.s32 $0x6000;
	[sflag:s15] =	ssyncadd.s32 $0xFFFFFF80  }
0x2d: {  	[tilespmem:s28], [sflag:$0x1] =	stream.indirect.gather [hbm4b:s2+s14], $0x1, s29, s14, $0xb8;
	[tilespmem:$0xD800] =	vst v63  }
0x2e: {  	_ =	swait.ge [sflag:s15], $0x80  }
0x2f: {  	[sflag:s15] =	ssyncset.done $0x0  }
0x30: {  	s30 =	simm.s32 $0xC000;
	s31 =	simm.s32 $0x7800;
	[sflag:s15] =	ssyncadd.s32 $0xFFFFFF80  }
0x31: {  	[tilespmem:s30], [sflag:$0x1] =	stream.indirect.gather [hbm4b:s2+s14], $0x1, s31, s14, $0xb8;
	[tilespmem:$0xD800] =	vst v63  }
0x32: {  	_ =	swait.ge [sflag:s15], $0x80  }
0x33: {  	s19 =	simm.s32 $0x80;
	s20 =	simm.s32 $0x400;
	[sflag:s15] =	ssyncset.done $0x0  }
.LBB2_4:
0x34: {  	s21 =	sadd.s32 $0x9000, s19  }
0x35: {  	s22 =	sadd.s32 $0x4800, s19;
	[sflag:s15] =	ssyncadd.s32 $0xFFFFFF80;
	s23 =	smov.u32 s20  }
0x36: {  	[tilespmem:s21], [sflag:$0x1] =	stream.indirect.gather [hbm4b:s4+s14], $0x1, s22, s14, $0xb8;
	[tilespmem:$0xD800] =	vst v63  }
0x37: {  	p0 =	sne.s32 s20, $0x5E00;
	s20 =	sadd.s32 $0x200, s20;
	_ =	swait.ge [sflag:s15], $0x80  }
0x38: {  	[sflag:s15] =	ssyncset.done $0x0  }
0x39: {  	s21 =	sadd.s32 $0xA800, s19;
	s22 =	sadd.s32 $0x6000, s19;
	[sflag:s15] =	ssyncadd.s32 $0xFFFFFF80  }
0x3a: {  	[tilespmem:s21], [sflag:$0x1] =	stream.indirect.gather [hbm4b:s2+s14], $0x1, s22, s14, $0xb8;
	[tilespmem:$0xD800] =	vst v63  }
0x3b: {  	_ =	swait.ge [sflag:s15], $0x80  }
.Ltmp1:
0x3c: {  	[sflag:s15] =	ssyncset.done $0x0;
	(pc) =	sbr.rel @p0 .LBB2_4-.Ltmp1, $4  }
0x3d: {  	s21 =	sadd.s32 $0xC000, s19;
	s19 =	sadd.s32 $0x7800, s19;
	[sflag:s15] =	ssyncadd.s32 $0xFFFFFF80  }
0x3e: {  	[tilespmem:s21], [sflag:$0x1] =	stream.indirect.gather [hbm4b:s2+s14], $0x1, s19, s14, $0xb8;
	[tilespmem:$0xD800] =	vst v63  }
0x3f: {  	_ =	swait.ge [sflag:s15], $0x80  }
0x40: {  	s19 =	sshra.s32 s23, $0x2;
	[sflag:s15] =	ssyncset.done $0x0  }
0x41: {  	s20 =	sadd.s32 $0x9000, s19;
	s21 =	sadd.s32 $0x4800, s19;
	[sflag:s15] =	ssyncadd.s32 $0xFFFFFF80  }
0x42: {  	[tilespmem:s20], [sflag:$0x1] =	stream.indirect.gather [hbm4b:s4+s14], $0x1, s21, s14, $0xb8;
	[tilespmem:$0xD800] =	vst v63  }
0x43: {  	_ =	swait.ge [sflag:s15], $0x80  }
0x44: {  	[sflag:s15] =	ssyncset.done $0x0  }
0x45: {  	s28 =	sadd.s32 $0xA800, s19;
	s29 =	sadd.s32 $0x6000, s19;
	[sflag:s15] =	ssyncadd.s32 $0xFFFFFF80  }
0x46: {  	[tilespmem:s28], [sflag:$0x1] =	stream.indirect.gather [hbm4b:s2+s14], $0x1, s29, s14, $0xb8;
	[tilespmem:$0xD800] =	vst v63  }
0x47: {  	_ =	swait.ge [sflag:s15], $0x80  }
0x48: {  	[sflag:s15] =	ssyncset.done $0x0  }
0x49: {  	s30 =	sadd.s32 $0xC000, s19;
	s31 =	sadd.s32 $0x7800, s19;
	[sflag:s15] =	ssyncadd.s32 $0xFFFFFF80  }
0x4a: {  	[tilespmem:s30], [sflag:$0x1] =	stream.indirect.gather [hbm4b:s2+s14], $0x1, s31, s14, $0xb8;
	[tilespmem:$0xD800] =	vst v63  }
0x4b: {  	_ =	swait.ge [sflag:s15], $0x80  }
0x4c: {  	[sflag:s15] =	ssyncset.done $0x0  }
0x4d: {  	s19 =	simm.s32 $0x0;
	[sflag:s15] =	ssyncadd.s32 $0xFFFFFF80  }
0x4e: {  	s20 =	simm.s32 $0x40;
	v0 =	vld [tilespmem:s19+$0xA800]  }
.LBB2_6:
0x4f: {  	p0 =	sne.s32 s20, $0x5FC0;
	v1 =	vld [tilespmem:s19+$0xC000];
	_ =	sdelay $0x4  }
0x50: {  	v0 =	vsub.f32 v1, v0;
	_ =	sdelay $0x1  }
0x51: {  	v0 =	vmul.f32 $1.442695020e+00, v0;
	_ =	sdelay $0x1  }
0x52: {  	(erf) = vpow2.f32 v0;
	_ =	sdelay $0x8  }
0x53: {  	v0 =	vpop (erf)  }
0x54: {  	v0 =	vadd.f32 $1.000000000e+00, v0;
	_ =	sdelay $0x1  }
0x55: {  	(erf) = vrcp.f32 v0;
	_ =	sdelay $0x5  }
.Ltmp2:
0x56: {  	(pc) =	sbr.rel @p0 .LBB2_6-.Ltmp2, $3  }
0x57: {  	_ =	sdelay $0x1  }
0x58: {  	s21 =	sshra.s32 s20, $0x2;
	v1 =	vpop (erf)  }
0x59: {  	s20 =	sadd.s32 $0x40, s20;
	v0 =	vld [tilespmem:s21+$0xA800];
	[tilespmem:s19+$0xC000] =	vst v1;
	s19 =	smov.u32 s21  }
0x5a: {  	v1 =	vld [tilespmem:s19+$0xC000];
	_ =	sdelay $0x4  }
0x5b: {  	v0 =	vsub.f32 v1, v0;
	_ =	sdelay $0x1  }
0x5c: {  	v0 =	vmul.f32 $1.442695020e+00, v0;
	_ =	sdelay $0x1  }
0x5d: {  	(erf) = vpow2.f32 v0;
	_ =	sdelay $0x8  }
0x5e: {  	v0 =	vpop (erf)  }
0x5f: {  	v0 =	vadd.f32 $1.000000000e+00, v0;
	_ =	sdelay $0x1  }
0x60: {  	(erf) = vrcp.f32 v0;
	_ =	sdelay $0x8  }
0x61: {  	v0 =	vpop (erf)  }
0x62: {  	[tilespmem:s19+$0xC000] =	vst v0  }
0x63: {  	[hbm4b:s8+s3] =	stream.linear.scatter [tilespmem:s16], [sflag:$0x2], $0x1800, $0x38;
	[tilespmem:$0xD800] =	vst v63  }
0x64: {  	s18 =	sadd.s32 $0x1, s18;
	_ =	swait.ge [sflag:s11], $0x1800  }
0x65: {  	p0 =	sne.s32 s18, s10;
	[sflag:s11] =	ssyncset.done $0x0  }
.Ltmp3:
0x66: {  	[sflag:s11] =	ssyncadd.s32 $0xFFFFE800;
	(pc) =	sbr.rel @p0 .LBB2_1-.Ltmp3, $4  }
0x67: {  	[hbm4b:s9+s3] =	stream.linear.scatter [tilespmem:s17], [sflag:$0x2], $0x1800, $0x38;
	[tilespmem:$0xD800] =	vst v63  }
0x68: {  	_ =	swait.ge [sflag:s11], $0x1800  }
0x69: {  	[sflag:s11] =	ssyncset.done $0x0  }
0x6a: {  	[sflag:s11] =	ssyncadd.s32 $0xFFFFE800  }
0x6b: {  	_ =	sfence.sel $0x180000  }
0x6c: {  	[bflag:$0x0] =	sbarrier.arrive $0xFFFF  }
0x6d: {  	p0 =	sne.s32 s0, $0x0;
	_ =	strace $0x9000004A  }
0x6e: {  	s0 =	sadd.s32 @!p0 $0x100000, s1;
	[bflag:$0x2] =	sbarrier.arrive $0xFFFF  }
0x6f: {  	[sflag:s0] =	ssyncadd.tile.s32 @!p0 $0x1;
	_ =	shalt  }
.Lfunc_end2:
_tile_overlayer_lowered:
.L_overlay_start_2:
0x70: {  	(tag) =	ssettag $0x2  }
0x71: {  	s0 =	rddreg [dreg:$0x0];
	s2 =	stileid.u32  }
0x72: {  	s1 =	rddreg [dreg:$0x1];
	p0 =	sne.s32 s2, $0x0  }
0x73: {  	s3 =	rddreg [dreg:$0x2];
	[bflag:$0x3] =	sbarrier.arrive $0xFFFF;
	s2 =	simm.s32 @!p0 $0x1C02  }
0x74: {  	[timem:s3], [sflag:s2] =	dma.local @!p0 [hbm:s0], s1  }
0x75: {  	s0 =	simm.s32 @!p0 $0x2  }
0x76: {  	_ =	swait.ge @!p0 [sflag:s0], s1  }
0x77: {  	s1 =	ssub.s32 @!p0 $0x0, s1;
	[sflag:s0] =	ssyncset.done @!p0 $0x0  }
0x78: {  	[sflag:s0] =	ssyncadd.s32 @!p0 s1  }
0x79: {  	[bflag:$0x3] =	sbarrier.arrive $0xFFFF  }
0x7a: {  	_ =	shalt  }

// kernel: sparse-core-data-format-call.cloned.1.call-start
scs
called_computation_lowered:
.L_overlay_start_0:
0x0: {  	s1 =	sld [smem:$0x3FD9]  }
0x1: {  	s2 =	sld [smem:$0x3FFE];
	_ =	sdelay $0x1  }
0x2: {  	s3 =	srdreg.scid  }
0x3: {  	s0 =	sand.u32 $0x1, s3  }
0x4: {  	s17 =	sshll.u32 s0, $0xA;
	s1 =	sadd.s32 s2, s1  }
0x5: {  	s1 =	sadd.s32 s1, s17  }
0x6: {  	[smem:$0x3FC2] =	sst s1  }
0x7: {  	_ = 	snop  }
0x8: {  	(tm) =	ssettm $0x1  }
0x9: {  	s18 =	sld [smem:$0x3FFB];
	_ =	sdelay $0x3  }
0xa: {  	_ =	strace s18  }
0xb: {  	s1 =	sld [smem:$0x3FFC];
	_ =	sdelay $0x3  }
0xc: {  	_ =	strace s1  }
0xd: {  	s1 =	sld [smem:$0x3FFD];
	_ =	sdelay $0x3  }
0xe: {  	_ =	strace s1  }
0xf: {  	_ =	strace $0x8FFFFFFF  }
0x10: {  	s19 =	sld [smem:$0x3FDB];
	_ =	sdelay $0x1  }
0x11: {  	s20 =	simm.s32 $_scs_section_size  }
0x12: {  	s4 =	simm.s32 $_size__tile_overlayer_lowered;
	s5 =	simm.s32 $_tile_overlayer_lowered  }
0x13: {  	s23 =	simm.s32 $0x1BFF;
	s22 =	sshll.u32 s5, $0x1;
	s1 =	sadd.s32 s20, s19  }
0x14: {  	s6 =	simm.s32 $0x0;
	s21 =	sshll.u32 s4, $0x1;
	s4 =	sadd.s32 s22, s1  }
0x15: {  	[timem:s6], [sflag:s23] =	dma.local [hbm:s4], s21  }
0x16: {  	_ =	swait.ge [sflag:s23], s21  }
0x17: {  	s2 =	ssub.s32 $0x0, s21;
	[sflag:s23] =	ssyncset.done $0x0  }
0x18: {  	[sflag:s23] =	ssyncadd.s32 s2;
	_ =	sdelay $0x1  }
0x19: {  	s24 =	simm.s32 $0x1B8B  }
0x1a: {  	_ =	swait.ge [sflag:s24], $0x1  }
0x1b: {  	[sflag:s24] =	ssyncset.done $0x0  }
0x1c: {  	s26 =	simm.s32 $0x1B8E;
	s25 =	sld [smem:$0x3FFE];
	[sflag:s24] =	ssyncadd.s32 $0xFFFFFFFF  }
0x1d: {  	s27 =	simm.s32 $execute0_lowered;
	[smem:$0x3FD2] =	sst s26  }
0x1e: {  	s4 =	sshll.u32 s27, $0x1;
	_ =	strace $0x80000046;
	[dreg:$0x1] =	wrdreg $0xFFFFFFFF  }
0x1f: {  	s28 =	simm.s32 $_size_execute0_lowered;
	s1 =	sadd.s32 s1, s4;
	[dreg:$0x0] =	wrdreg $0x0  }
0x20: {  	s4 =	sshll.u32 s28, $0x1;
	[dreg:$0x2] =	wrdreg s1  }
0x21: {  	[dreg:$0x3] =	wrdreg s4  }
0x22: {  	[dreg:$0x4] =	wrdreg $0xC0  }
0x23: {  	_ =	task [dreg:s6], $0x5FFFF  }
0x24: {  	[dreg:$0x1] =	wrdreg $0xFFFFFFFF  }
0x25: {  	[dreg:$0x0] =	wrdreg $0x60  }
0x26: {  	[dreg:$0x2] =	wrdreg s25  }
0x27: {  	[dreg:$0x3] =	wrdreg $0x9  }
0x28: {  	_ =	task.clear_ibuf [dreg:s6], $0x4FFFF;
	_ =	strace $0x90000046  }
0x29: {  	s29 =	simm.s32 $0x9;
	_ =	strace $0x80000048  }
0x2a: {  	_ =	swait.ge [sflag:s29], $0x1  }
0x2b: {  	[sflag:s29] =	ssyncadd.s32 $0xFFFFFFFF  }
0x2c: {  	_ =	strace $0x90000048  }
0x2d: {  	_ =	sfence  }
0x2e: {  	s30 =	sld [smem:$0x0];
	_ =	sdelay $0x2  }
0x2f: {  	s31 =	sshll.u32 s3, $0xD;
	s3 =	sshrl.u32 s3, $0x2  }
0x30: {  	s2 =	sand.u32 $0x4000, s31;
	s1 =	sadd.s32 s3, s30  }
0x31: {  	s0 =	sor.u32 s2, s0;
	s1 =	sshll.u32 s1, $0x11  }
0x32: {  	s0 =	sor.u32 s1, s0  }
0x33: {  	s0 =	sadd.s32 $0x8F2B, s0  }
0x34: {  	[sflag:s0] =	ssyncadd.remote.s32 $0x1  }
0x35: {  	_ =	sfence.sel $0xFFFF  }
0x36: {  	[dreg:$0x0] =	wrdreg $0xFFFFFFFF;
	(pc) =	sbr.abs _section_cstart, $3  }
0x37: {  	[dreg:$0x1] =	wrdreg $0xFFFFFFFF  }
0x38: {  	_ =	task.clear_ibuf [dreg:s6], $0x2FFFF;
	_ =	strace $0x9FFFFFFF  }
0x39: {  	(tm) =	ssettm $0x7FFFFFFF  }
tec
execute0_lowered:
.L_overlay_start_1:
0x0: {  	(tag) =	ssettag $0x1  }
0x1: {  	s1 =	rddreg [dreg:$0x0]  }
0x2: {  	s0 =	rddreg [dreg:$0x1]  }
0x3: {  	_ =	strace $0x80000047;
	s4 =	srdreg.scid;
	s6 =	simm.s32 $0x2  }
0x4: {  	s11 =	simm.s32 $0x0;
	p0 =	por $0x0, $0x0;
	s7 =	simm.s32 $0x1000  }
.Ltmp0:
0x5: {  	s12 =	simm.s32 $0x0;
	s9 =	simm.s32 $0x0;
	(pc) =	sbr.rel .LBB1_1-.Ltmp0, $4  }
0x6: {  	s2 =	sadd.s32 $0x1200, s1;
	s3 =	sadd.s32 $0x441200, s1;
	s5 =	sshll.u32 s4, $0x4  }
0x7: {  	s1 =	stileid.u32;
	s4 =	simm.s32 $0x1;
	s5 =	sand.u32 $0x10, s5  }
0x8: {  	s8 =	simm.s32 $0x0;
	[sflag:s4] =	ssyncpa.u1 $0x0;
	s5 =	sor.u32 s1, s5  }
0x9: {  	[sflag:s6] =	ssyncpa.u1 $0x0;
	s6 =	simm.s32 $0x800;
	s10 =	smov.u32 s5  }
.LBB1_7:
0xa: {  	s13 =	sadd.s32 $0x10, s9  }
0xb: {  	s11 =	sadd.s32 $0x20, s10;
	s15 =	smov.u32 s10;
	p2 =	sgt.s32 s13, $0x1F  }
0xc: {  	p1 =	slt.u32 s8, $0x2;
	s15 =	smov.u32 @p2 s11  }
0xd: {  	s8 =	sadd.s32 $0x1, s8;
	s13 =	simm.s32 @p2 $0x0;
	p2 =	sgt.s32 s15, $0x3FF  }
0xe: {  	s15 =	smov.u32 @p2 s5;
	p2 =	sne.s32 s8, $0x42  }
.Ltmp1:
0xf: {  	_ = 	snop;
	(pc) =	sbr.rel @!p2 .LBB1_8-.Ltmp1, $4  }
0x10: {  	s14 =	simm.s32 @!p1 $0x2  }
0x11: {  	s12 =	smov.u32 s10;
	_ =	swait.ge @!p1 [sflag:s14], $0x4000  }
0x12: {  	p0 =	por !p0, !p0;
	s11 =	smov.u32 s9;
	[sflag:s14] =	ssyncset.done @!p1 $0x0  }
0x13: {  	s9 =	smov.u32 s13;
	[sflag:s14] =	ssyncadd.s32 @!p1 $0xFFFFC000;
	s10 =	smov.u32 s15  }
.LBB1_1:
0x14: {  	p1 =	sgt.u32 s8, $0x3F  }
0x15: {  	s13 =	sxor.u32 @!p1 $0xFFFFFFFF, s8;
	s14 =	sshll.u32 @!p1 s10, $0xC  }
0x16: {  	s15 =	sshll.u32 @!p1 s9, $0x7;
	s13 =	sshll.u32 @!p1 s13, $0xE;
	s14 =	sadd.s32 @!p1 s2, s14  }
0x17: {  	s13 =	sand.u32 @!p1 $0x4000, s13;
	s14 =	sadd.s32 @!p1 s15, s14;
	s15 =	simm.s32 @!p1 $0x0  }
0x18: {  	[tilespmem:s13], [sflag:$0x1] =	stream.linear.gather @!p1 [hbm4b:s14+s15], $0x4000, $0x38;
	[tilespmem:$0x10000] =	vst v63  }
0x19: {  	p1 =	seq.s32 s8, $0x0  }
0x1a: {  	p2 =	seq.s32 @!p1 s8, $0x41  }
0x1b: {  	p1 =	por p1, p2  }
.Ltmp2:
0x1c: {  	_ = 	snop;
	(pc) =	sbr.rel @p1 .LBB1_7-.Ltmp2, $1  }
0x1d: {  	_ =	sdelay $0x3  }
0x1e: {  	s13 =	simm.s32 $0x1;
	_ =	swait.ge [sflag:s4], $0x4000;
	s16 =	sshll.u32 s8, $0xE  }
0x1f: {  	s13 =	simm.s32 @!p0 $0x0;
	[sflag:s4] =	ssyncset.done $0x0;
	s31 =	sand.u32 $0x4000, s16  }
0x20: {  	s16 =	simm.s32 $0x0;
	s14 =	sshll.u32 s13, $0xE;
	[sflag:s4] =	ssyncadd.s32 $0xFFFFC000  }
0x21: {  	s13 =	sor.u32 $0x8040, s14;
	s15 =	sor.u32 $0x40, s14;
	s14 =	sor.u32 $0x8000, s31  }
.LBB1_3:
0x22: {  	v0 =	vmov s15;
	_ =	sdelay $0x3  }
0x23: {  	s18 =	simm.s32 $0x0  }
0x24: {  	v6 =	vld.idx.msk [tilespmem:v0+s18+$0x30 ss:$0x1], $0xffff  }
0x25: {  	v7 =	vld.idx.msk [tilespmem:v0+s18+$0xFFFFFFC0 ss:$0x1], $0xffff  }
0x26: {  	v5 =	vld.idx.msk [tilespmem:v0+s18+$0xFFFFFFD0 ss:$0x1], $0xffff  }
0x27: {  	v4 =	vld.idx.msk [tilespmem:v0+s18+$0xFFFFFFE0 ss:$0x1], $0xffff  }
0x28: {  	v3 =	vld.idx.msk [tilespmem:v0+s18+$0xFFFFFFF0 ss:$0x1], $0xffff  }
0x29: {  	v1 =	vld.idx.msk [tilespmem:v0+s18+$0x0 ss:$0x1], $0xffff  }
0x2a: {  	v2 =	vld.idx.msk [tilespmem:v0+s18+$0x10 ss:$0x1], $0xffff;
	[tilespmem:s13+$0x30] =	vst v6  }
0x2b: {  	s17 =	simm.s32 $0x80;
	s19 =	simm.s32 $0x400;
	[tilespmem:s13+$0xFFFFFFC0] =	vst v7;
	v6 =	vld.idx.msk [tilespmem:v0+s18+$0x20 ss:$0x1], $0xffff;
	s18 =	smov.u32 s13  }
.LBB1_4:
0x2c: {  	p1 =	sne.s32 s19, $0xE00;
	v7 =	vld.idx.msk [tilespmem:v0+s17+$0x30 ss:$0x1], $0xffff;
	[tilespmem:s18+$0xFFFFFFD0] =	vst v5  }
0x2d: {  	v8 =	vld.idx.msk [tilespmem:v0+s17+$0xFFFFFFC0 ss:$0x1], $0xffff;
	[tilespmem:s18+$0xFFFFFFE0] =	vst v4  }
0x2e: {  	v5 =	vld.idx.msk [tilespmem:v0+s17+$0xFFFFFFD0 ss:$0x1], $0xffff;
	[tilespmem:s18+$0xFFFFFFF0] =	vst v3  }
.Ltmp3:
0x2f: {  	v4 =	vld.idx.msk [tilespmem:v0+s17+$0xFFFFFFE0 ss:$0x1], $0xffff;
	[tilespmem:s18+$0x0] =	vst v1;
	(pc) =	sbr.rel @p1 .LBB1_4-.Ltmp3, $4  }
0x30: {  	v3 =	vld.idx.msk [tilespmem:v0+s17+$0xFFFFFFF0 ss:$0x1], $0xffff;
	[tilespmem:s18+$0x10] =	vst v2  }
0x31: {  	v1 =	vld.idx.msk [tilespmem:v0+s17+$0x0 ss:$0x1], $0xffff;
	[tilespmem:s18+$0x20] =	vst v6;
	s18 =	sadd.s32 $0x800, s18  }
0x32: {  	v2 =	vld.idx.msk [tilespmem:v0+s17+$0x10 ss:$0x1], $0xffff;
	[tilespmem:s18+$0x30] =	vst v7  }
0x33: {  	[tilespmem:s18+$0xFFFFFFC0] =	vst v8;
	v6 =	vld.idx.msk [tilespmem:v0+s17+$0x20 ss:$0x1], $0xffff;
	s17 =	sshra.s32 s19, $0x2;
	s19 =	sadd.s32 $0x200, s19  }
0x34: {  	_ =	sdelay $0x2  }
0x35: {  	[tilespmem:s18+$0xFFFFFFD0] =	vst v5  }
0x36: {  	v56 =	vld.idx.msk [tilespmem:v0+s17+$0x30 ss:$0x1], $0xffff;
	[tilespmem:s18+$0xFFFFFFE0] =	vst v4  }
0x37: {  	v57 =	vld.idx.msk [tilespmem:v0+s17+$0xFFFFFFC0 ss:$0x1], $0xffff;
	[tilespmem:s18+$0xFFFFFFF0] =	vst v3  }
0x38: {  	v58 =	vld.idx.msk [tilespmem:v0+s17+$0xFFFFFFD0 ss:$0x1], $0xffff;
	[tilespmem:s18+$0x0] =	vst v1  }
0x39: {  	v59 =	vld.idx.msk [tilespmem:v0+s17+$0xFFFFFFE0 ss:$0x1], $0xffff;
	[tilespmem:s18+$0x10] =	vst v2  }
0x3a: {  	v60 =	vld.idx.msk [tilespmem:v0+s17+$0xFFFFFFF0 ss:$0x1], $0xffff;
	s31 =	sadd.s32 $0x800, s18;
	[tilespmem:s18+$0x20] =	vst v6  }
0x3b: {  	v61 =	vld.idx.msk [tilespmem:v0+s17+$0x0 ss:$0x1], $0xffff;
	[tilespmem:s31+$0x30] =	vst v56  }
0x3c: {  	v62 =	vld.idx.msk [tilespmem:v0+s17+$0x10 ss:$0x1], $0xffff;
	s16 =	sadd.s32 $0x1, s16;
	[tilespmem:s31+$0xFFFFFFC0] =	vst v57  }
0x3d: {  	v63 =	vld.idx.msk [tilespmem:v0+s17+$0x20 ss:$0x1], $0xffff;
	p1 =	sne.s32 s16, $0x10;
	[tilespmem:s31+$0xFFFFFFD0] =	vst v58  }
.Ltmp4:
0x3e: {  	[tilespmem:s31+$0xFFFFFFE0] =	vst v59;
	(pc) =	sbr.rel @p1 .LBB1_3-.Ltmp4, $4  }
0x3f: {  	[tilespmem:s31+$0xFFFFFFF0] =	vst v60  }
0x40: {  	[tilespmem:s31+$0x0] =	vst v61  }
0x41: {  	[tilespmem:s31+$0x10] =	vst v62  }
0x42: {  	s13 =	sadd.s32 $0x80, s13;
	s15 =	sadd.s32 $0x400, s15;
	[tilespmem:s31+$0x20] =	vst v63  }
.Ltmp5:
0x43: {  	(pc) =	sbr.rel .LBB1_7-.Ltmp5, $4  }
0x44: {  	s12 =	sshll.u32 s12, $0xC;
	s11 =	sshll.u32 s11, $0x4  }
0x45: {  	s11 =	sand.u32 $0x1F0, s11;
	s12 =	sadd.s32 s3, s12  }
0x46: {  	s11 =	sadd.s32 s11, s12  }
0x47: {  	[hbm4b:s11+s6] =	stream.strided.scatter [tilespmem:s14], [sflag:$0x2], $0x4000, s7, s6, $0x38;
	[tilespmem:$0x10000] =	vst v63  }
.LBB1_8:
0x48: {  	_ =	sfence.sel $0x180000  }
0x49: {  	s2 =	simm.s32 $0x1;
	[bflag:$0x0] =	sbarrier.arrive $0xFFFF  }
0x4a: {  	s31 =	simm.s32 $0x2;
	[sflag:s2] =	ssyncpa.u1 $0x1  }
0x4b: {  	[sflag:s31] =	ssyncpa.u1 $0x1  }
0x4c: {  	p0 =	sne.s32 s1, $0x0;
	_ =	strace $0x90000047  }
0x4d: {  	s0 =	sadd.s32 @!p0 $0x100000, s0;
	[bflag:$0x2] =	sbarrier.arrive $0xFFFF  }
0x4e: {  	[sflag:s0] =	ssyncadd.tile.s32 @!p0 $0x1;
	_ =	shalt  }
.Lfunc_end1:
_tile_overlayer_lowered:
.L_overlay_start_2:
0x4f: {  	(tag) =	ssettag $0x2  }
0x50: {  	s0 =	rddreg [dreg:$0x0];
	s2 =	stileid.u32  }
0x51: {  	s1 =	rddreg [dreg:$0x1];
	p0 =	sne.s32 s2, $0x0  }
0x52: {  	s3 =	rddreg [dreg:$0x2];
	[bflag:$0x3] =	sbarrier.arrive $0xFFFF;
	s2 =	simm.s32 @!p0 $0x1C01  }
0x53: {  	[timem:s3], [sflag:s2] =	dma.local @!p0 [hbm:s0], s1  }
0x54: {  	s0 =	simm.s32 @!p0 $0x1  }
0x55: {  	_ =	swait.ge @!p0 [sflag:s0], s1  }
0x56: {  	s1 =	ssub.s32 @!p0 $0x0, s1;
	[sflag:s0] =	ssyncset.done @!p0 $0x0  }
0x57: {  	[sflag:s0] =	ssyncadd.s32 @!p0 s1  }
0x58: {  	[bflag:$0x3] =	sbarrier.arrive $0xFFFF  }
0x59: {  	_ =	shalt  }

</sc_bundles>
